<compile_context>
chip_gen: v7x
topology: tpu7x:2x2x1
jax: 0.10.2.dev20260603
libtpu: 0.0.44.dev20260713+nightly
codegen_flags: <defaults>
</compile_context>

<pallas_src>
import functools

import jax
import jax.numpy as jnp
from jax import lax
from jax.experimental import pallas as pl
from jax.experimental.pallas import tpu as pltpu
from jax.experimental.pallas import tpu_sc as plsc

N_STATE = 1024

_NC = 2
_NS = 16
_NW = _NC * _NS

_B = 4 * 8192
_BPW = _B // _NW
_CHUNK = 8
_NCHUNK = _BPW // _CHUNK
_NBUF = 8
_NBLK = _NCHUNK // _NBUF


def _make_gather():
    mesh = plsc.VectorSubcoreMesh(core_axis_name="c", subcore_axis_name="s")

    @functools.partial(
        pl.kernel,
        mesh=mesh,
        out_type=jax.ShapeDtypeStruct((_B, N_STATE), jnp.float32),
        scratch_types=(
            [pltpu.VMEM((_BPW,), jnp.int32)]
            + [pltpu.VMEM((_CHUNK, N_STATE), jnp.float32)] * _NBUF
            + [pltpu.SemaphoreType.DMA] * (2 * _NBUF)
        ),
    )
    def gather_kernel(idx_hbm, table_hbm, out_hbm, idx_v, *rest):
        bufs = rest[:_NBUF]
        gsems = rest[_NBUF:2 * _NBUF]
        wsems = rest[2 * _NBUF:]

        wid = lax.axis_index("s") * _NC + lax.axis_index("c")
        base = wid * _BPW
        pltpu.sync_copy(idx_hbm.at[pl.ds(base, _BPW)], idx_v)

        def start_gather(i, b):
            pltpu.async_copy(
                table_hbm.at[idx_v.at[pl.ds(i * _CHUNK, _CHUNK)]],
                bufs[b], gsems[b],
            )

        def wait_gather(b):
            pltpu.make_async_copy(
                table_hbm.at[pl.ds(0, _CHUNK)], bufs[b], gsems[b]
            ).wait()

        def start_write(i, b):
            pltpu.async_copy(
                bufs[b], out_hbm.at[pl.ds(base + i * _CHUNK, _CHUNK)],
                wsems[b],
            )

        def wait_write(b):
            pltpu.make_async_copy(
                table_hbm.at[pl.ds(0, _CHUNK)], bufs[b], wsems[b]
            ).wait()

        for i in range(_NBUF - 1):
            start_gather(i, i)
        for b in range(_NBUF):
            i = b
            if i + _NBUF - 1 < _NCHUNK:
                ahead = (i + _NBUF - 1) % _NBUF
                if i + _NBUF - 1 >= _NBUF:
                    wait_write(ahead)
                start_gather(i + _NBUF - 1, ahead)
            wait_gather(b)
            start_write(i, b)

        def body(g, carry):
            i0 = g * _NBUF
            for b in range(_NBUF):
                i = i0 + b
                ahead = (b + _NBUF - 1) % _NBUF
                wait_write(ahead)
                start_gather(i + _NBUF - 1, ahead)
                wait_gather(b)
                start_write(i, b)
            return carry

        lax.fori_loop(1, _NBLK - 1, body, 0)

        i0 = _NCHUNK - _NBUF
        for b in range(_NBUF):
            i = i0 + b
            if i + _NBUF - 1 < _NCHUNK:
                ahead = (i + _NBUF - 1) % _NBUF
                wait_write(ahead)
                start_gather(i + _NBUF - 1, ahead)
            wait_gather(b)
            start_write(i, b)
        for b in range(_NBUF):
            wait_write(b)

    return gather_kernel


_gather = _make_gather()


@jax.jit
def kernel(positions, positional_embeddings):
    idx = positions.reshape(-1).astype(jnp.int32)
    out = _gather(idx, positional_embeddings)
    return out.reshape(positions.shape + (N_STATE,))

# --- scband reference (transcript-rebuilt; emitter-appended) ---
"""Pipeline reference for scband-learned-sinusoidal-embeddings-21990232556005 (READ-ONLY COPY).

The authoritative reference and input builder live on the scoring server;
editing this copy changes nothing except your own understanding.
"""

import jax, jax.numpy as jnp
import numpy as np

N_CTX = 8192
N_STATE = 1024
BATCH = 4
SEQ = 8192

def sinusofeatures(length, channels, max_timescale=10000):
    assert channels % 2 == 0
    log_timescale_increment = np.log(max_timescale) / (channels // 2 - 1)
    inv_timescales = jnp.exp(-log_timescale_increment * jnp.arange(channels // 2, dtype=jnp.float32))
    scaled_time = jnp.arange(length, dtype=jnp.float32)[:, None] * inv_timescales[None, :]
    return jnp.concatenate([jnp.sin(scaled_time), jnp.cos(scaled_time)], axis=1).astype(jnp.float32)

def setup_inputs(seed: int = 0) -> dict:
    key = jax.random.key(seed)
    positions = jax.random.randint(key, (BATCH, SEQ), 0, N_CTX, dtype=jnp.int64 if jax.config.jax_enable_x64 else jnp.int32)
    positional_embeddings = sinusofeatures(N_CTX, N_STATE)
    return {"positions": positions, "positional_embeddings": positional_embeddings}

def reference(positions, positional_embeddings):
    # position_embeddings = self.positional_embeddings[positions]
    return jnp.take(positional_embeddings, positions, axis=0)

if __name__ == "__main__":
    import jax
    _d = setup_inputs()
    print(jax.jit(kernel)(*tuple(_d.values())))

</pallas_src>

<mosaic_0001>
#map = affine_map<(d0, d1) -> (0)>
#map1 = affine_map<(d0, d1) -> (0, 0)>
module attributes {stable_mosaic.version = 14 : i64} {
  func.func @gather_kernel(%arg0: i32, %arg1: i32, %arg2: memref<32768xi32, #tpu.memory_space<hbm>>, %arg3: memref<8192x1024xf32, #tpu.memory_space<hbm>>, %arg4: memref<32768x1024xf32, #tpu.memory_space<hbm>>, %arg5: memref<1024xi32, #tpu.memory_space<vmem>>, %arg6: memref<8x1024xf32, #tpu.memory_space<vmem>>, %arg7: memref<8x1024xf32, #tpu.memory_space<vmem>>, %arg8: memref<8x1024xf32, #tpu.memory_space<vmem>>, %arg9: memref<8x1024xf32, #tpu.memory_space<vmem>>, %arg10: memref<8x1024xf32, #tpu.memory_space<vmem>>, %arg11: memref<8x1024xf32, #tpu.memory_space<vmem>>, %arg12: memref<8x1024xf32, #tpu.memory_space<vmem>>, %arg13: memref<8x1024xf32, #tpu.memory_space<vmem>>, %arg14: memref<!tpu.dma_semaphore, #tpu.memory_space<semaphore_mem>>, %arg15: memref<!tpu.dma_semaphore, #tpu.memory_space<semaphore_mem>>, %arg16: memref<!tpu.dma_semaphore, #tpu.memory_space<semaphore_mem>>, %arg17: memref<!tpu.dma_semaphore, #tpu.memory_space<semaphore_mem>>, %arg18: memref<!tpu.dma_semaphore, #tpu.memory_space<semaphore_mem>>, %arg19: memref<!tpu.dma_semaphore, #tpu.memory_space<semaphore_mem>>, %arg20: memref<!tpu.dma_semaphore, #tpu.memory_space<semaphore_mem>>, %arg21: memref<!tpu.dma_semaphore, #tpu.memory_space<semaphore_mem>>, %arg22: memref<!tpu.dma_semaphore, #tpu.memory_space<semaphore_mem>>, %arg23: memref<!tpu.dma_semaphore, #tpu.memory_space<semaphore_mem>>, %arg24: memref<!tpu.dma_semaphore, #tpu.memory_space<semaphore_mem>>, %arg25: memref<!tpu.dma_semaphore, #tpu.memory_space<semaphore_mem>>, %arg26: memref<!tpu.dma_semaphore, #tpu.memory_space<semaphore_mem>>, %arg27: memref<!tpu.dma_semaphore, #tpu.memory_space<semaphore_mem>>, %arg28: memref<!tpu.dma_semaphore, #tpu.memory_space<semaphore_mem>>, %arg29: memref<!tpu.dma_semaphore, #tpu.memory_space<semaphore_mem>>) attributes {dimension_semantics = [#tpu.dimension_semantics<core_parallel>, #tpu.dimension_semantics<subcore_parallel>], iteration_bounds = array<i64: 2, 16>, scalar_prefetch = 0 : i64, scratch_operands = 25 : i64, tpu.core_type = #tpu.core_type<sc_vector_subcore>, window_params = [{transform_indices = #map}, {transform_indices = #map1}, {transform_indices = #map1}]} {
    %mul3A = arith.constant 2 : i32
    %mul3A_0 = arith.muli %arg1, %mul3A : i32
    %add3A = arith.addi %mul3A_0, %arg0 : i32
    %mul3A_1 = arith.constant 1024 : i32
    %mul3A_2 = arith.muli %add3A, %mul3A_1 : i32
    "tpu.region"() ({
      %run_scoped3A = tpu.sem_alloc : memref<!tpu.dma_semaphore, #tpu.memory_space<semaphore_mem>>
      %dma_start3A_374 = tpu.memref_slice %arg2[%mul3A_2] : memref<32768xi32, #tpu.memory_space<hbm>> -> memref<1024xi32, #tpu.memory_space<hbm>>
      %dma_start3A_375 = tpu.memref_slice %arg2[%mul3A_2] : memref<32768xi32, #tpu.memory_space<hbm>> -> memref<1024xi32, #tpu.memory_space<hbm>>
      tpu.enqueue_dma source(%dma_start3A_375 : memref<1024xi32, #tpu.memory_space<hbm>>) target(%arg5 : memref<1024xi32, #tpu.memory_space<vmem>>) target_semaphore(%run_scoped3A : memref<!tpu.dma_semaphore, #tpu.memory_space<semaphore_mem>>)
      %dma_wait3A_376 = tpu.memref_slice %arg2[%mul3A_2] : memref<32768xi32, #tpu.memory_space<hbm>> -> memref<1024xi32, #tpu.memory_space<hbm>>
      %dma_wait3A_377 = tpu.memref_slice %arg2[%mul3A_2] : memref<32768xi32, #tpu.memory_space<hbm>> -> memref<1024xi32, #tpu.memory_space<hbm>>
      tpu.wait_dma2 semaphore(%run_scoped3A : memref<!tpu.dma_semaphore, #tpu.memory_space<semaphore_mem>>) src(%dma_wait3A_377 : memref<1024xi32, #tpu.memory_space<hbm>>) dst(%arg5 : memref<1024xi32, #tpu.memory_space<vmem>>)
      tpu.yield
    }) : () -> ()
    %dma_start3A = arith.constant 0 : i32
    %dma_start3A_3 = tpu.memref_slice %arg5[%dma_start3A] : memref<1024xi32, #tpu.memory_space<vmem>> -> memref<8xi32, #tpu.memory_space<vmem>>
    %dma_start3A_4 = arith.constant 0 : i32
    %dma_start3A_5 = arith.constant 0 : i32
    %dma_start3A_6 = tpu.memref_slice %arg3[%dma_start3A_4, %dma_start3A_5] : memref<8192x1024xf32, #tpu.memory_space<hbm>> -> memref<8192x1024xf32, #tpu.memory_space<hbm>>
    tpu.enqueue_indirect_dma source(%dma_start3A_6 : memref<8192x1024xf32, #tpu.memory_space<hbm>>) target(%arg6 : memref<8x1024xf32, #tpu.memory_space<vmem>>) offsets(%dma_start3A_3 : memref<8xi32, #tpu.memory_space<vmem>>) semaphore(%arg14 : memref<!tpu.dma_semaphore, #tpu.memory_space<semaphore_mem>>)
    %dma_start3A_7 = arith.constant 8 : i32
    %dma_start3A_8 = tpu.memref_slice %arg5[%dma_start3A_7] : memref<1024xi32, #tpu.memory_space<vmem>> -> memref<8xi32, #tpu.memory_space<vmem>>
    %dma_start3A_9 = arith.constant 0 : i32
    %dma_start3A_10 = arith.constant 0 : i32
    %dma_start3A_11 = tpu.memref_slice %arg3[%dma_start3A_9, %dma_start3A_10] : memref<8192x1024xf32, #tpu.memory_space<hbm>> -> memref<8192x1024xf32, #tpu.memory_space<hbm>>
    tpu.enqueue_indirect_dma source(%dma_start3A_11 : memref<8192x1024xf32, #tpu.memory_space<hbm>>) target(%arg7 : memref<8x1024xf32, #tpu.memory_space<vmem>>) offsets(%dma_start3A_8 : memref<8xi32, #tpu.memory_space<vmem>>) semaphore(%arg15 : memref<!tpu.dma_semaphore, #tpu.memory_space<semaphore_mem>>)
    %dma_start3A_12 = arith.constant 16 : i32
    %dma_start3A_13 = tpu.memref_slice %arg5[%dma_start3A_12] : memref<1024xi32, #tpu.memory_space<vmem>> -> memref<8xi32, #tpu.memory_space<vmem>>
    %dma_start3A_14 = arith.constant 0 : i32
    %dma_start3A_15 = arith.constant 0 : i32
    %dma_start3A_16 = tpu.memref_slice %arg3[%dma_start3A_14, %dma_start3A_15] : memref<8192x1024xf32, #tpu.memory_space<hbm>> -> memref<8192x1024xf32, #tpu.memory_space<hbm>>
    tpu.enqueue_indirect_dma source(%dma_start3A_16 : memref<8192x1024xf32, #tpu.memory_space<hbm>>) target(%arg8 : memref<8x1024xf32, #tpu.memory_space<vmem>>) offsets(%dma_start3A_13 : memref<8xi32, #tpu.memory_space<vmem>>) semaphore(%arg16 : memref<!tpu.dma_semaphore, #tpu.memory_space<semaphore_mem>>)
    %dma_start3A_17 = arith.constant 24 : i32
    %dma_start3A_18 = tpu.memref_slice %arg5[%dma_start3A_17] : memref<1024xi32, #tpu.memory_space<vmem>> -> memref<8xi32, #tpu.memory_space<vmem>>
    %dma_start3A_19 = arith.constant 0 : i32
    %dma_start3A_20 = arith.constant 0 : i32
    %dma_start3A_21 = tpu.memref_slice %arg3[%dma_start3A_19, %dma_start3A_20] : memref<8192x1024xf32, #tpu.memory_space<hbm>> -> memref<8192x1024xf32, #tpu.memory_space<hbm>>
    tpu.enqueue_indirect_dma source(%dma_start3A_21 : memref<8192x1024xf32, #tpu.memory_space<hbm>>) target(%arg9 : memref<8x1024xf32, #tpu.memory_space<vmem>>) offsets(%dma_start3A_18 : memref<8xi32, #tpu.memory_space<vmem>>) semaphore(%arg17 : memref<!tpu.dma_semaphore, #tpu.memory_space<semaphore_mem>>)
    %dma_start3A_22 = arith.constant 32 : i32
    %dma_start3A_23 = tpu.memref_slice %arg5[%dma_start3A_22] : memref<1024xi32, #tpu.memory_space<vmem>> -> memref<8xi32, #tpu.memory_space<vmem>>
    %dma_start3A_24 = arith.constant 0 : i32
    %dma_start3A_25 = arith.constant 0 : i32
    %dma_start3A_26 = tpu.memref_slice %arg3[%dma_start3A_24, %dma_start3A_25] : memref<8192x1024xf32, #tpu.memory_space<hbm>> -> memref<8192x1024xf32, #tpu.memory_space<hbm>>
    tpu.enqueue_indirect_dma source(%dma_start3A_26 : memref<8192x1024xf32, #tpu.memory_space<hbm>>) target(%arg10 : memref<8x1024xf32, #tpu.memory_space<vmem>>) offsets(%dma_start3A_23 : memref<8xi32, #tpu.memory_space<vmem>>) semaphore(%arg18 : memref<!tpu.dma_semaphore, #tpu.memory_space<semaphore_mem>>)
    %dma_start3A_27 = arith.constant 40 : i32
    %dma_start3A_28 = tpu.memref_slice %arg5[%dma_start3A_27] : memref<1024xi32, #tpu.memory_space<vmem>> -> memref<8xi32, #tpu.memory_space<vmem>>
    %dma_start3A_29 = arith.constant 0 : i32
    %dma_start3A_30 = arith.constant 0 : i32
    %dma_start3A_31 = tpu.memref_slice %arg3[%dma_start3A_29, %dma_start3A_30] : memref<8192x1024xf32, #tpu.memory_space<hbm>> -> memref<8192x1024xf32, #tpu.memory_space<hbm>>
    tpu.enqueue_indirect_dma source(%dma_start3A_31 : memref<8192x1024xf32, #tpu.memory_space<hbm>>) target(%arg11 : memref<8x1024xf32, #tpu.memory_space<vmem>>) offsets(%dma_start3A_28 : memref<8xi32, #tpu.memory_space<vmem>>) semaphore(%arg19 : memref<!tpu.dma_semaphore, #tpu.memory_space<semaphore_mem>>)
    %dma_start3A_32 = arith.constant 48 : i32
    %dma_start3A_33 = tpu.memref_slice %arg5[%dma_start3A_32] : memref<1024xi32, #tpu.memory_space<vmem>> -> memref<8xi32, #tpu.memory_space<vmem>>
    %dma_start3A_34 = arith.constant 0 : i32
    %dma_start3A_35 = arith.constant 0 : i32
    %dma_start3A_36 = tpu.memref_slice %arg3[%dma_start3A_34, %dma_start3A_35] : memref<8192x1024xf32, #tpu.memory_space<hbm>> -> memref<8192x1024xf32, #tpu.memory_space<hbm>>
    tpu.enqueue_indirect_dma source(%dma_start3A_36 : memref<8192x1024xf32, #tpu.memory_space<hbm>>) target(%arg12 : memref<8x1024xf32, #tpu.memory_space<vmem>>) offsets(%dma_start3A_33 : memref<8xi32, #tpu.memory_space<vmem>>) semaphore(%arg20 : memref<!tpu.dma_semaphore, #tpu.memory_space<semaphore_mem>>)
    %dma_start3A_37 = arith.constant 56 : i32
    %dma_start3A_38 = tpu.memref_slice %arg5[%dma_start3A_37] : memref<1024xi32, #tpu.memory_space<vmem>> -> memref<8xi32, #tpu.memory_space<vmem>>
    %dma_start3A_39 = arith.constant 0 : i32
    %dma_start3A_40 = arith.constant 0 : i32
    %dma_start3A_41 = tpu.memref_slice %arg3[%dma_start3A_39, %dma_start3A_40] : memref<8192x1024xf32, #tpu.memory_space<hbm>> -> memref<8192x1024xf32, #tpu.memory_space<hbm>>
    tpu.enqueue_indirect_dma source(%dma_start3A_41 : memref<8192x1024xf32, #tpu.memory_space<hbm>>) target(%arg13 : memref<8x1024xf32, #tpu.memory_space<vmem>>) offsets(%dma_start3A_38 : memref<8xi32, #tpu.memory_space<vmem>>) semaphore(%arg21 : memref<!tpu.dma_semaphore, #tpu.memory_space<semaphore_mem>>)
    %dma_wait3A = arith.constant 0 : i32
    %dma_wait3A_42 = arith.constant 0 : i32
    %dma_wait3A_43 = tpu.memref_slice %arg3[%dma_wait3A, %dma_wait3A_42] : memref<8192x1024xf32, #tpu.memory_space<hbm>> -> memref<8x1024xf32, #tpu.memory_space<hbm>>
    %dma_wait3A_44 = arith.constant 0 : i32
    %dma_wait3A_45 = arith.constant 0 : i32
    %dma_wait3A_46 = tpu.memref_slice %arg3[%dma_wait3A_44, %dma_wait3A_45] : memref<8192x1024xf32, #tpu.memory_space<hbm>> -> memref<8x1024xf32, #tpu.memory_space<hbm>>
    tpu.wait_dma2 semaphore(%arg14 : memref<!tpu.dma_semaphore, #tpu.memory_space<semaphore_mem>>) src(%dma_wait3A_46 : memref<8x1024xf32, #tpu.memory_space<hbm>>) dst(%arg6 : memref<8x1024xf32, #tpu.memory_space<vmem>>)
    %add3A_47 = arith.constant 0 : i32
    %add3A_48 = arith.addi %mul3A_2, %add3A_47 : i32
    %dma_start3A_49 = arith.constant 0 : i32
    %dma_start3A_50 = tpu.memref_slice %arg4[%add3A_48, %dma_start3A_49] : memref<32768x1024xf32, #tpu.memory_space<hbm>> -> memref<8x1024xf32, #tpu.memory_space<hbm>>
    %dma_start3A_51 = arith.constant 0 : i32
    %dma_start3A_52 = tpu.memref_slice %arg4[%add3A_48, %dma_start3A_51] : memref<32768x1024xf32, #tpu.memory_space<hbm>> -> memref<8x1024xf32, #tpu.memory_space<hbm>>
    tpu.enqueue_dma source(%arg6 : memref<8x1024xf32, #tpu.memory_space<vmem>>) target(%dma_start3A_52 : memref<8x1024xf32, #tpu.memory_space<hbm>>) target_semaphore(%arg22 : memref<!tpu.dma_semaphore, #tpu.memory_space<semaphore_mem>>)
    %dma_wait3A_53 = arith.constant 0 : i32
    %dma_wait3A_54 = arith.constant 0 : i32
    %dma_wait3A_55 = tpu.memref_slice %arg3[%dma_wait3A_53, %dma_wait3A_54] : memref<8192x1024xf32, #tpu.memory_space<hbm>> -> memref<8x1024xf32, #tpu.memory_space<hbm>>
    %dma_wait3A_56 = arith.constant 0 : i32
    %dma_wait3A_57 = arith.constant 0 : i32
    %dma_wait3A_58 = tpu.memref_slice %arg3[%dma_wait3A_56, %dma_wait3A_57] : memref<8192x1024xf32, #tpu.memory_space<hbm>> -> memref<8x1024xf32, #tpu.memory_space<hbm>>
    tpu.wait_dma2 semaphore(%arg22 : memref<!tpu.dma_semaphore, #tpu.memory_space<semaphore_mem>>) src(%dma_wait3A_58 : memref<8x1024xf32, #tpu.memory_space<hbm>>) dst(%arg6 : memref<8x1024xf32, #tpu.memory_space<vmem>>)
    %dma_start3A_59 = arith.constant 64 : i32
    %dma_start3A_60 = tpu.memref_slice %arg5[%dma_start3A_59] : memref<1024xi32, #tpu.memory_space<vmem>> -> memref<8xi32, #tpu.memory_space<vmem>>
    %dma_start3A_61 = arith.constant 0 : i32
    %dma_start3A_62 = arith.constant 0 : i32
    %dma_start3A_63 = tpu.memref_slice %arg3[%dma_start3A_61, %dma_start3A_62] : memref<8192x1024xf32, #tpu.memory_space<hbm>> -> memref<8192x1024xf32, #tpu.memory_space<hbm>>
    tpu.enqueue_indirect_dma source(%dma_start3A_63 : memref<8192x1024xf32, #tpu.memory_space<hbm>>) target(%arg6 : memref<8x1024xf32, #tpu.memory_space<vmem>>) offsets(%dma_start3A_60 : memref<8xi32, #tpu.memory_space<vmem>>) semaphore(%arg14 : memref<!tpu.dma_semaphore, #tpu.memory_space<semaphore_mem>>)
    %dma_wait3A_64 = arith.constant 0 : i32
    %dma_wait3A_65 = arith.constant 0 : i32
    %dma_wait3A_66 = tpu.memref_slice %arg3[%dma_wait3A_64, %dma_wait3A_65] : memref<8192x1024xf32, #tpu.memory_space<hbm>> -> memref<8x1024xf32, #tpu.memory_space<hbm>>
    %dma_wait3A_67 = arith.constant 0 : i32
    %dma_wait3A_68 = arith.constant 0 : i32
    %dma_wait3A_69 = tpu.memref_slice %arg3[%dma_wait3A_67, %dma_wait3A_68] : memref<8192x1024xf32, #tpu.memory_space<hbm>> -> memref<8x1024xf32, #tpu.memory_space<hbm>>
    tpu.wait_dma2 semaphore(%arg15 : memref<!tpu.dma_semaphore, #tpu.memory_space<semaphore_mem>>) src(%dma_wait3A_69 : memref<8x1024xf32, #tpu.memory_space<hbm>>) dst(%arg7 : memref<8x1024xf32, #tpu.memory_space<vmem>>)
    %add3A_70 = arith.constant 8 : i32
    %add3A_71 = arith.addi %mul3A_2, %add3A_70 : i32
    %dma_start3A_72 = arith.constant 0 : i32
    %dma_start3A_73 = tpu.memref_slice %arg4[%add3A_71, %dma_start3A_72] : memref<32768x1024xf32, #tpu.memory_space<hbm>> -> memref<8x1024xf32, #tpu.memory_space<hbm>>
    %dma_start3A_74 = arith.constant 0 : i32
    %dma_start3A_75 = tpu.memref_slice %arg4[%add3A_71, %dma_start3A_74] : memref<32768x1024xf32, #tpu.memory_space<hbm>> -> memref<8x1024xf32, #tpu.memory_space<hbm>>
    tpu.enqueue_dma source(%arg7 : memref<8x1024xf32, #tpu.memory_space<vmem>>) target(%dma_start3A_75 : memref<8x1024xf32, #tpu.memory_space<hbm>>) target_semaphore(%arg23 : memref<!tpu.dma_semaphore, #tpu.memory_space<semaphore_mem>>)
    %dma_wait3A_76 = arith.constant 0 : i32
    %dma_wait3A_77 = arith.constant 0 : i32
    %dma_wait3A_78 = tpu.memref_slice %arg3[%dma_wait3A_76, %dma_wait3A_77] : memref<8192x1024xf32, #tpu.memory_space<hbm>> -> memref<8x1024xf32, #tpu.memory_space<hbm>>
    %dma_wait3A_79 = arith.constant 0 : i32
    %dma_wait3A_80 = arith.constant 0 : i32
    %dma_wait3A_81 = tpu.memref_slice %arg3[%dma_wait3A_79, %dma_wait3A_80] : memref<8192x1024xf32, #tpu.memory_space<hbm>> -> memref<8x1024xf32, #tpu.memory_space<hbm>>
    tpu.wait_dma2 semaphore(%arg23 : memref<!tpu.dma_semaphore, #tpu.memory_space<semaphore_mem>>) src(%dma_wait3A_81 : memref<8x1024xf32, #tpu.memory_space<hbm>>) dst(%arg7 : memref<8x1024xf32, #tpu.memory_space<vmem>>)
    %dma_start3A_82 = arith.constant 72 : i32
    %dma_start3A_83 = tpu.memref_slice %arg5[%dma_start3A_82] : memref<1024xi32, #tpu.memory_space<vmem>> -> memref<8xi32, #tpu.memory_space<vmem>>
    %dma_start3A_84 = arith.constant 0 : i32
    %dma_start3A_85 = arith.constant 0 : i32
    %dma_start3A_86 = tpu.memref_slice %arg3[%dma_start3A_84, %dma_start3A_85] : memref<8192x1024xf32, #tpu.memory_space<hbm>> -> memref<8192x1024xf32, #tpu.memory_space<hbm>>
    tpu.enqueue_indirect_dma source(%dma_start3A_86 : memref<8192x1024xf32, #tpu.memory_space<hbm>>) target(%arg7 : memref<8x1024xf32, #tpu.memory_space<vmem>>) offsets(%dma_start3A_83 : memref<8xi32, #tpu.memory_space<vmem>>) semaphore(%arg15 : memref<!tpu.dma_semaphore, #tpu.memory_space<semaphore_mem>>)
    %dma_wait3A_87 = arith.constant 0 : i32
    %dma_wait3A_88 = arith.constant 0 : i32
    %dma_wait3A_89 = tpu.memref_slice %arg3[%dma_wait3A_87, %dma_wait3A_88] : memref<8192x1024xf32, #tpu.memory_space<hbm>> -> memref<8x1024xf32, #tpu.memory_space<hbm>>
    %dma_wait3A_90 = arith.constant 0 : i32
    %dma_wait3A_91 = arith.constant 0 : i32
    %dma_wait3A_92 = tpu.memref_slice %arg3[%dma_wait3A_90, %dma_wait3A_91] : memref<8192x1024xf32, #tpu.memory_space<hbm>> -> memref<8x1024xf32, #tpu.memory_space<hbm>>
    tpu.wait_dma2 semaphore(%arg16 : memref<!tpu.dma_semaphore, #tpu.memory_space<semaphore_mem>>) src(%dma_wait3A_92 : memref<8x1024xf32, #tpu.memory_space<hbm>>) dst(%arg8 : memref<8x1024xf32, #tpu.memory_space<vmem>>)
    %add3A_93 = arith.constant 16 : i32
    %add3A_94 = arith.addi %mul3A_2, %add3A_93 : i32
    %dma_start3A_95 = arith.constant 0 : i32
    %dma_start3A_96 = tpu.memref_slice %arg4[%add3A_94, %dma_start3A_95] : memref<32768x1024xf32, #tpu.memory_space<hbm>> -> memref<8x1024xf32, #tpu.memory_space<hbm>>
    %dma_start3A_97 = arith.constant 0 : i32
    %dma_start3A_98 = tpu.memref_slice %arg4[%add3A_94, %dma_start3A_97] : memref<32768x1024xf32, #tpu.memory_space<hbm>> -> memref<8x1024xf32, #tpu.memory_space<hbm>>
    tpu.enqueue_dma source(%arg8 : memref<8x1024xf32, #tpu.memory_space<vmem>>) target(%dma_start3A_98 : memref<8x1024xf32, #tpu.memory_space<hbm>>) target_semaphore(%arg24 : memref<!tpu.dma_semaphore, #tpu.memory_space<semaphore_mem>>)
    %dma_wait3A_99 = arith.constant 0 : i32
    %dma_wait3A_100 = arith.constant 0 : i32
    %dma_wait3A_101 = tpu.memref_slice %arg3[%dma_wait3A_99, %dma_wait3A_100] : memref<8192x1024xf32, #tpu.memory_space<hbm>> -> memref<8x1024xf32, #tpu.memory_space<hbm>>
    %dma_wait3A_102 = arith.constant 0 : i32
    %dma_wait3A_103 = arith.constant 0 : i32
    %dma_wait3A_104 = tpu.memref_slice %arg3[%dma_wait3A_102, %dma_wait3A_103] : memref<8192x1024xf32, #tpu.memory_space<hbm>> -> memref<8x1024xf32, #tpu.memory_space<hbm>>
    tpu.wait_dma2 semaphore(%arg24 : memref<!tpu.dma_semaphore, #tpu.memory_space<semaphore_mem>>) src(%dma_wait3A_104 : memref<8x1024xf32, #tpu.memory_space<hbm>>) dst(%arg8 : memref<8x1024xf32, #tpu.memory_space<vmem>>)
    %dma_start3A_105 = arith.constant 80 : i32
    %dma_start3A_106 = tpu.memref_slice %arg5[%dma_start3A_105] : memref<1024xi32, #tpu.memory_space<vmem>> -> memref<8xi32, #tpu.memory_space<vmem>>
    %dma_start3A_107 = arith.constant 0 : i32
    %dma_start3A_108 = arith.constant 0 : i32
    %dma_start3A_109 = tpu.memref_slice %arg3[%dma_start3A_107, %dma_start3A_108] : memref<8192x1024xf32, #tpu.memory_space<hbm>> -> memref<8192x1024xf32, #tpu.memory_space<hbm>>
    tpu.enqueue_indirect_dma source(%dma_start3A_109 : memref<8192x1024xf32, #tpu.memory_space<hbm>>) target(%arg8 : memref<8x1024xf32, #tpu.memory_space<vmem>>) offsets(%dma_start3A_106 : memref<8xi32, #tpu.memory_space<vmem>>) semaphore(%arg16 : memref<!tpu.dma_semaphore, #tpu.memory_space<semaphore_mem>>)
    %dma_wait3A_110 = arith.constant 0 : i32
    %dma_wait3A_111 = arith.constant 0 : i32
    %dma_wait3A_112 = tpu.memref_slice %arg3[%dma_wait3A_110, %dma_wait3A_111] : memref<8192x1024xf32, #tpu.memory_space<hbm>> -> memref<8x1024xf32, #tpu.memory_space<hbm>>
    %dma_wait3A_113 = arith.constant 0 : i32
    %dma_wait3A_114 = arith.constant 0 : i32
    %dma_wait3A_115 = tpu.memref_slice %arg3[%dma_wait3A_113, %dma_wait3A_114] : memref<8192x1024xf32, #tpu.memory_space<hbm>> -> memref<8x1024xf32, #tpu.memory_space<hbm>>
    tpu.wait_dma2 semaphore(%arg17 : memref<!tpu.dma_semaphore, #tpu.memory_space<semaphore_mem>>) src(%dma_wait3A_115 : memref<8x1024xf32, #tpu.memory_space<hbm>>) dst(%arg9 : memref<8x1024xf32, #tpu.memory_space<vmem>>)
    %add3A_116 = arith.constant 24 : i32
    %add3A_117 = arith.addi %mul3A_2, %add3A_116 : i32
    %dma_start3A_118 = arith.constant 0 : i32
    %dma_start3A_119 = tpu.memref_slice %arg4[%add3A_117, %dma_start3A_118] : memref<32768x1024xf32, #tpu.memory_space<hbm>> -> memref<8x1024xf32, #tpu.memory_space<hbm>>
    %dma_start3A_120 = arith.constant 0 : i32
    %dma_start3A_121 = tpu.memref_slice %arg4[%add3A_117, %dma_start3A_120] : memref<32768x1024xf32, #tpu.memory_space<hbm>> -> memref<8x1024xf32, #tpu.memory_space<hbm>>
    tpu.enqueue_dma source(%arg9 : memref<8x1024xf32, #tpu.memory_space<vmem>>) target(%dma_start3A_121 : memref<8x1024xf32, #tpu.memory_space<hbm>>) target_semaphore(%arg25 : memref<!tpu.dma_semaphore, #tpu.memory_space<semaphore_mem>>)
    %dma_wait3A_122 = arith.constant 0 : i32
    %dma_wait3A_123 = arith.constant 0 : i32
    %dma_wait3A_124 = tpu.memref_slice %arg3[%dma_wait3A_122, %dma_wait3A_123] : memref<8192x1024xf32, #tpu.memory_space<hbm>> -> memref<8x1024xf32, #tpu.memory_space<hbm>>
    %dma_wait3A_125 = arith.constant 0 : i32
    %dma_wait3A_126 = arith.constant 0 : i32
    %dma_wait3A_127 = tpu.memref_slice %arg3[%dma_wait3A_125, %dma_wait3A_126] : memref<8192x1024xf32, #tpu.memory_space<hbm>> -> memref<8x1024xf32, #tpu.memory_space<hbm>>
    tpu.wait_dma2 semaphore(%arg25 : memref<!tpu.dma_semaphore, #tpu.memory_space<semaphore_mem>>) src(%dma_wait3A_127 : memref<8x1024xf32, #tpu.memory_space<hbm>>) dst(%arg9 : memref<8x1024xf32, #tpu.memory_space<vmem>>)
    %dma_start3A_128 = arith.constant 88 : i32
    %dma_start3A_129 = tpu.memref_slice %arg5[%dma_start3A_128] : memref<1024xi32, #tpu.memory_space<vmem>> -> memref<8xi32, #tpu.memory_space<vmem>>
    %dma_start3A_130 = arith.constant 0 : i32
    %dma_start3A_131 = arith.constant 0 : i32
    %dma_start3A_132 = tpu.memref_slice %arg3[%dma_start3A_130, %dma_start3A_131] : memref<8192x1024xf32, #tpu.memory_space<hbm>> -> memref<8192x1024xf32, #tpu.memory_space<hbm>>
    tpu.enqueue_indirect_dma source(%dma_start3A_132 : memref<8192x1024xf32, #tpu.memory_space<hbm>>) target(%arg9 : memref<8x1024xf32, #tpu.memory_space<vmem>>) offsets(%dma_start3A_129 : memref<8xi32, #tpu.memory_space<vmem>>) semaphore(%arg17 : memref<!tpu.dma_semaphore, #tpu.memory_space<semaphore_mem>>)
    %dma_wait3A_133 = arith.constant 0 : i32
    %dma_wait3A_134 = arith.constant 0 : i32
    %dma_wait3A_135 = tpu.memref_slice %arg3[%dma_wait3A_133, %dma_wait3A_134] : memref<8192x1024xf32, #tpu.memory_space<hbm>> -> memref<8x1024xf32, #tpu.memory_space<hbm>>
    %dma_wait3A_136 = arith.constant 0 : i32
    %dma_wait3A_137 = arith.constant 0 : i32
    %dma_wait3A_138 = tpu.memref_slice %arg3[%dma_wait3A_136, %dma_wait3A_137] : memref<8192x1024xf32, #tpu.memory_space<hbm>> -> memref<8x1024xf32, #tpu.memory_space<hbm>>
    tpu.wait_dma2 semaphore(%arg18 : memref<!tpu.dma_semaphore, #tpu.memory_space<semaphore_mem>>) src(%dma_wait3A_138 : memref<8x1024xf32, #tpu.memory_space<hbm>>) dst(%arg10 : memref<8x1024xf32, #tpu.memory_space<vmem>>)
    %add3A_139 = arith.constant 32 : i32
    %add3A_140 = arith.addi %mul3A_2, %add3A_139 : i32
    %dma_start3A_141 = arith.constant 0 : i32
    %dma_start3A_142 = tpu.memref_slice %arg4[%add3A_140, %dma_start3A_141] : memref<32768x1024xf32, #tpu.memory_space<hbm>> -> memref<8x1024xf32, #tpu.memory_space<hbm>>
    %dma_start3A_143 = arith.constant 0 : i32
    %dma_start3A_144 = tpu.memref_slice %arg4[%add3A_140, %dma_start3A_143] : memref<32768x1024xf32, #tpu.memory_space<hbm>> -> memref<8x1024xf32, #tpu.memory_space<hbm>>
    tpu.enqueue_dma source(%arg10 : memref<8x1024xf32, #tpu.memory_space<vmem>>) target(%dma_start3A_144 : memref<8x1024xf32, #tpu.memory_space<hbm>>) target_semaphore(%arg26 : memref<!tpu.dma_semaphore, #tpu.memory_space<semaphore_mem>>)
    %dma_wait3A_145 = arith.constant 0 : i32
    %dma_wait3A_146 = arith.constant 0 : i32
    %dma_wait3A_147 = tpu.memref_slice %arg3[%dma_wait3A_145, %dma_wait3A_146] : memref<8192x1024xf32, #tpu.memory_space<hbm>> -> memref<8x1024xf32, #tpu.memory_space<hbm>>
    %dma_wait3A_148 = arith.constant 0 : i32
    %dma_wait3A_149 = arith.constant 0 : i32
    %dma_wait3A_150 = tpu.memref_slice %arg3[%dma_wait3A_148, %dma_wait3A_149] : memref<8192x1024xf32, #tpu.memory_space<hbm>> -> memref<8x1024xf32, #tpu.memory_space<hbm>>
    tpu.wait_dma2 semaphore(%arg26 : memref<!tpu.dma_semaphore, #tpu.memory_space<semaphore_mem>>) src(%dma_wait3A_150 : memref<8x1024xf32, #tpu.memory_space<hbm>>) dst(%arg10 : memref<8x1024xf32, #tpu.memory_space<vmem>>)
    %dma_start3A_151 = arith.constant 96 : i32
    %dma_start3A_152 = tpu.memref_slice %arg5[%dma_start3A_151] : memref<1024xi32, #tpu.memory_space<vmem>> -> memref<8xi32, #tpu.memory_space<vmem>>
    %dma_start3A_153 = arith.constant 0 : i32
    %dma_start3A_154 = arith.constant 0 : i32
    %dma_start3A_155 = tpu.memref_slice %arg3[%dma_start3A_153, %dma_start3A_154] : memref<8192x1024xf32, #tpu.memory_space<hbm>> -> memref<8192x1024xf32, #tpu.memory_space<hbm>>
    tpu.enqueue_indirect_dma source(%dma_start3A_155 : memref<8192x1024xf32, #tpu.memory_space<hbm>>) target(%arg10 : memref<8x1024xf32, #tpu.memory_space<vmem>>) offsets(%dma_start3A_152 : memref<8xi32, #tpu.memory_space<vmem>>) semaphore(%arg18 : memref<!tpu.dma_semaphore, #tpu.memory_space<semaphore_mem>>)
    %dma_wait3A_156 = arith.constant 0 : i32
    %dma_wait3A_157 = arith.constant 0 : i32
    %dma_wait3A_158 = tpu.memref_slice %arg3[%dma_wait3A_156, %dma_wait3A_157] : memref<8192x1024xf32, #tpu.memory_space<hbm>> -> memref<8x1024xf32, #tpu.memory_space<hbm>>
    %dma_wait3A_159 = arith.constant 0 : i32
    %dma_wait3A_160 = arith.constant 0 : i32
    %dma_wait3A_161 = tpu.memref_slice %arg3[%dma_wait3A_159, %dma_wait3A_160] : memref<8192x1024xf32, #tpu.memory_space<hbm>> -> memref<8x1024xf32, #tpu.memory_space<hbm>>
    tpu.wait_dma2 semaphore(%arg19 : memref<!tpu.dma_semaphore, #tpu.memory_space<semaphore_mem>>) src(%dma_wait3A_161 : memref<8x1024xf32, #tpu.memory_space<hbm>>) dst(%arg11 : memref<8x1024xf32, #tpu.memory_space<vmem>>)
    %add3A_162 = arith.constant 40 : i32
    %add3A_163 = arith.addi %mul3A_2, %add3A_162 : i32
    %dma_start3A_164 = arith.constant 0 : i32
    %dma_start3A_165 = tpu.memref_slice %arg4[%add3A_163, %dma_start3A_164] : memref<32768x1024xf32, #tpu.memory_space<hbm>> -> memref<8x1024xf32, #tpu.memory_space<hbm>>
    %dma_start3A_166 = arith.constant 0 : i32
    %dma_start3A_167 = tpu.memref_slice %arg4[%add3A_163, %dma_start3A_166] : memref<32768x1024xf32, #tpu.memory_space<hbm>> -> memref<8x1024xf32, #tpu.memory_space<hbm>>
    tpu.enqueue_dma source(%arg11 : memref<8x1024xf32, #tpu.memory_space<vmem>>) target(%dma_start3A_167 : memref<8x1024xf32, #tpu.memory_space<hbm>>) target_semaphore(%arg27 : memref<!tpu.dma_semaphore, #tpu.memory_space<semaphore_mem>>)
    %dma_wait3A_168 = arith.constant 0 : i32
    %dma_wait3A_169 = arith.constant 0 : i32
    %dma_wait3A_170 = tpu.memref_slice %arg3[%dma_wait3A_168, %dma_wait3A_169] : memref<8192x1024xf32, #tpu.memory_space<hbm>> -> memref<8x1024xf32, #tpu.memory_space<hbm>>
    %dma_wait3A_171 = arith.constant 0 : i32
    %dma_wait3A_172 = arith.constant 0 : i32
    %dma_wait3A_173 = tpu.memref_slice %arg3[%dma_wait3A_171, %dma_wait3A_172] : memref<8192x1024xf32, #tpu.memory_space<hbm>> -> memref<8x1024xf32, #tpu.memory_space<hbm>>
    tpu.wait_dma2 semaphore(%arg27 : memref<!tpu.dma_semaphore, #tpu.memory_space<semaphore_mem>>) src(%dma_wait3A_173 : memref<8x1024xf32, #tpu.memory_space<hbm>>) dst(%arg11 : memref<8x1024xf32, #tpu.memory_space<vmem>>)
    %dma_start3A_174 = arith.constant 104 : i32
    %dma_start3A_175 = tpu.memref_slice %arg5[%dma_start3A_174] : memref<1024xi32, #tpu.memory_space<vmem>> -> memref<8xi32, #tpu.memory_space<vmem>>
    %dma_start3A_176 = arith.constant 0 : i32
    %dma_start3A_177 = arith.constant 0 : i32
    %dma_start3A_178 = tpu.memref_slice %arg3[%dma_start3A_176, %dma_start3A_177] : memref<8192x1024xf32, #tpu.memory_space<hbm>> -> memref<8192x1024xf32, #tpu.memory_space<hbm>>
    tpu.enqueue_indirect_dma source(%dma_start3A_178 : memref<8192x1024xf32, #tpu.memory_space<hbm>>) target(%arg11 : memref<8x1024xf32, #tpu.memory_space<vmem>>) offsets(%dma_start3A_175 : memref<8xi32, #tpu.memory_space<vmem>>) semaphore(%arg19 : memref<!tpu.dma_semaphore, #tpu.memory_space<semaphore_mem>>)
    %dma_wait3A_179 = arith.constant 0 : i32
    %dma_wait3A_180 = arith.constant 0 : i32
    %dma_wait3A_181 = tpu.memref_slice %arg3[%dma_wait3A_179, %dma_wait3A_180] : memref<8192x1024xf32, #tpu.memory_space<hbm>> -> memref<8x1024xf32, #tpu.memory_space<hbm>>
    %dma_wait3A_182 = arith.constant 0 : i32
    %dma_wait3A_183 = arith.constant 0 : i32
    %dma_wait3A_184 = tpu.memref_slice %arg3[%dma_wait3A_182, %dma_wait3A_183] : memref<8192x1024xf32, #tpu.memory_space<hbm>> -> memref<8x1024xf32, #tpu.memory_space<hbm>>
    tpu.wait_dma2 semaphore(%arg20 : memref<!tpu.dma_semaphore, #tpu.memory_space<semaphore_mem>>) src(%dma_wait3A_184 : memref<8x1024xf32, #tpu.memory_space<hbm>>) dst(%arg12 : memref<8x1024xf32, #tpu.memory_space<vmem>>)
    %add3A_185 = arith.constant 48 : i32
    %add3A_186 = arith.addi %mul3A_2, %add3A_185 : i32
    %dma_start3A_187 = arith.constant 0 : i32
    %dma_start3A_188 = tpu.memref_slice %arg4[%add3A_186, %dma_start3A_187] : memref<32768x1024xf32, #tpu.memory_space<hbm>> -> memref<8x1024xf32, #tpu.memory_space<hbm>>
    %dma_start3A_189 = arith.constant 0 : i32
    %dma_start3A_190 = tpu.memref_slice %arg4[%add3A_186, %dma_start3A_189] : memref<32768x1024xf32, #tpu.memory_space<hbm>> -> memref<8x1024xf32, #tpu.memory_space<hbm>>
    tpu.enqueue_dma source(%arg12 : memref<8x1024xf32, #tpu.memory_space<vmem>>) target(%dma_start3A_190 : memref<8x1024xf32, #tpu.memory_space<hbm>>) target_semaphore(%arg28 : memref<!tpu.dma_semaphore, #tpu.memory_space<semaphore_mem>>)
    %dma_wait3A_191 = arith.constant 0 : i32
    %dma_wait3A_192 = arith.constant 0 : i32
    %dma_wait3A_193 = tpu.memref_slice %arg3[%dma_wait3A_191, %dma_wait3A_192] : memref<8192x1024xf32, #tpu.memory_space<hbm>> -> memref<8x1024xf32, #tpu.memory_space<hbm>>
    %dma_wait3A_194 = arith.constant 0 : i32
    %dma_wait3A_195 = arith.constant 0 : i32
    %dma_wait3A_196 = tpu.memref_slice %arg3[%dma_wait3A_194, %dma_wait3A_195] : memref<8192x1024xf32, #tpu.memory_space<hbm>> -> memref<8x1024xf32, #tpu.memory_space<hbm>>
    tpu.wait_dma2 semaphore(%arg28 : memref<!tpu.dma_semaphore, #tpu.memory_space<semaphore_mem>>) src(%dma_wait3A_196 : memref<8x1024xf32, #tpu.memory_space<hbm>>) dst(%arg12 : memref<8x1024xf32, #tpu.memory_space<vmem>>)
    %dma_start3A_197 = arith.constant 112 : i32
    %dma_start3A_198 = tpu.memref_slice %arg5[%dma_start3A_197] : memref<1024xi32, #tpu.memory_space<vmem>> -> memref<8xi32, #tpu.memory_space<vmem>>
    %dma_start3A_199 = arith.constant 0 : i32
    %dma_start3A_200 = arith.constant 0 : i32
    %dma_start3A_201 = tpu.memref_slice %arg3[%dma_start3A_199, %dma_start3A_200] : memref<8192x1024xf32, #tpu.memory_space<hbm>> -> memref<8192x1024xf32, #tpu.memory_space<hbm>>
    tpu.enqueue_indirect_dma source(%dma_start3A_201 : memref<8192x1024xf32, #tpu.memory_space<hbm>>) target(%arg12 : memref<8x1024xf32, #tpu.memory_space<vmem>>) offsets(%dma_start3A_198 : memref<8xi32, #tpu.memory_space<vmem>>) semaphore(%arg20 : memref<!tpu.dma_semaphore, #tpu.memory_space<semaphore_mem>>)
    %dma_wait3A_202 = arith.constant 0 : i32
    %dma_wait3A_203 = arith.constant 0 : i32
    %dma_wait3A_204 = tpu.memref_slice %arg3[%dma_wait3A_202, %dma_wait3A_203] : memref<8192x1024xf32, #tpu.memory_space<hbm>> -> memref<8x1024xf32, #tpu.memory_space<hbm>>
    %dma_wait3A_205 = arith.constant 0 : i32
    %dma_wait3A_206 = arith.constant 0 : i32
    %dma_wait3A_207 = tpu.memref_slice %arg3[%dma_wait3A_205, %dma_wait3A_206] : memref<8192x1024xf32, #tpu.memory_space<hbm>> -> memref<8x1024xf32, #tpu.memory_space<hbm>>
    tpu.wait_dma2 semaphore(%arg21 : memref<!tpu.dma_semaphore, #tpu.memory_space<semaphore_mem>>) src(%dma_wait3A_207 : memref<8x1024xf32, #tpu.memory_space<hbm>>) dst(%arg13 : memref<8x1024xf32, #tpu.memory_space<vmem>>)
    %add3A_208 = arith.constant 56 : i32
    %add3A_209 = arith.addi %mul3A_2, %add3A_208 : i32
    %dma_start3A_210 = arith.constant 0 : i32
    %dma_start3A_211 = tpu.memref_slice %arg4[%add3A_209, %dma_start3A_210] : memref<32768x1024xf32, #tpu.memory_space<hbm>> -> memref<8x1024xf32, #tpu.memory_space<hbm>>
    %dma_start3A_212 = arith.constant 0 : i32
    %dma_start3A_213 = tpu.memref_slice %arg4[%add3A_209, %dma_start3A_212] : memref<32768x1024xf32, #tpu.memory_space<hbm>> -> memref<8x1024xf32, #tpu.memory_space<hbm>>
    tpu.enqueue_dma source(%arg13 : memref<8x1024xf32, #tpu.memory_space<vmem>>) target(%dma_start3A_213 : memref<8x1024xf32, #tpu.memory_space<hbm>>) target_semaphore(%arg29 : memref<!tpu.dma_semaphore, #tpu.memory_space<semaphore_mem>>)
    %scan3A = arith.constant 0 : i32
    %scan3A_214 = arith.constant 1 : i32
    %scan3A_215 = arith.constant 14 : i32
    %scan3A_216 = arith.addi %scan3A_214, %scan3A_215 : i32
    %scan3A_217 = arith.constant 1 : i32
    scf.for %scan3A_374 = %scan3A_214 to %scan3A_216 step %scan3A_217  : i32 {
      %mul3A_375 = arith.constant 8 : i32
      %mul3A_376 = arith.muli %scan3A_374, %mul3A_375 : i32
      %add3A_377 = arith.constant 0 : i32
      %add3A_378 = arith.addi %mul3A_376, %add3A_377 : i32
      %dma_wait3A_379 = arith.constant 0 : i32
      %dma_wait3A_380 = arith.constant 0 : i32
      %dma_wait3A_381 = tpu.memref_slice %arg3[%dma_wait3A_379, %dma_wait3A_380] : memref<8192x1024xf32, #tpu.memory_space<hbm>> -> memref<8x1024xf32, #tpu.memory_space<hbm>>
      %dma_wait3A_382 = arith.constant 0 : i32
      %dma_wait3A_383 = arith.constant 0 : i32
      %dma_wait3A_384 = tpu.memref_slice %arg3[%dma_wait3A_382, %dma_wait3A_383] : memref<8192x1024xf32, #tpu.memory_space<hbm>> -> memref<8x1024xf32, #tpu.memory_space<hbm>>
      tpu.wait_dma2 semaphore(%arg29 : memref<!tpu.dma_semaphore, #tpu.memory_space<semaphore_mem>>) src(%dma_wait3A_384 : memref<8x1024xf32, #tpu.memory_space<hbm>>) dst(%arg13 : memref<8x1024xf32, #tpu.memory_space<vmem>>)
      %add3A_385 = arith.constant 8 : i32
      %add3A_386 = arith.addi %add3A_378, %add3A_385 : i32
      %sub3A = arith.constant 1 : i32
      %sub3A_387 = arith.subi %add3A_386, %sub3A : i32
      %mul3A_388 = arith.constant 8 : i32
      %mul3A_389 = arith.muli %sub3A_387, %mul3A_388 : i32
      %dma_start3A_390 = tpu.memref_slice %arg5[%mul3A_389] : memref<1024xi32, #tpu.memory_space<vmem>> -> memref<8xi32, #tpu.memory_space<vmem>>
      %dma_start3A_391 = arith.constant 0 : i32
      %dma_start3A_392 = arith.constant 0 : i32
      %dma_start3A_393 = tpu.memref_slice %arg3[%dma_start3A_391, %dma_start3A_392] : memref<8192x1024xf32, #tpu.memory_space<hbm>> -> memref<8192x1024xf32, #tpu.memory_space<hbm>>
      tpu.enqueue_indirect_dma source(%dma_start3A_393 : memref<8192x1024xf32, #tpu.memory_space<hbm>>) target(%arg13 : memref<8x1024xf32, #tpu.memory_space<vmem>>) offsets(%dma_start3A_390 : memref<8xi32, #tpu.memory_space<vmem>>) semaphore(%arg21 : memref<!tpu.dma_semaphore, #tpu.memory_space<semaphore_mem>>)
      %dma_wait3A_394 = arith.constant 0 : i32
      %dma_wait3A_395 = arith.constant 0 : i32
      %dma_wait3A_396 = tpu.memref_slice %arg3[%dma_wait3A_394, %dma_wait3A_395] : memref<8192x1024xf32, #tpu.memory_space<hbm>> -> memref<8x1024xf32, #tpu.memory_space<hbm>>
      %dma_wait3A_397 = arith.constant 0 : i32
      %dma_wait3A_398 = arith.constant 0 : i32
      %dma_wait3A_399 = tpu.memref_slice %arg3[%dma_wait3A_397, %dma_wait3A_398] : memref<8192x1024xf32, #tpu.memory_space<hbm>> -> memref<8x1024xf32, #tpu.memory_space<hbm>>
      tpu.wait_dma2 semaphore(%arg14 : memref<!tpu.dma_semaphore, #tpu.memory_space<semaphore_mem>>) src(%dma_wait3A_399 : memref<8x1024xf32, #tpu.memory_space<hbm>>) dst(%arg6 : memref<8x1024xf32, #tpu.memory_space<vmem>>)
      %mul3A_400 = arith.constant 8 : i32
      %mul3A_401 = arith.muli %add3A_378, %mul3A_400 : i32
      %add3A_402 = arith.addi %mul3A_2, %mul3A_401 : i32
      %dma_start3A_403 = arith.constant 0 : i32
      %dma_start3A_404 = tpu.memref_slice %arg4[%add3A_402, %dma_start3A_403] : memref<32768x1024xf32, #tpu.memory_space<hbm>> -> memref<8x1024xf32, #tpu.memory_space<hbm>>
      %dma_start3A_405 = arith.constant 0 : i32
      %dma_start3A_406 = tpu.memref_slice %arg4[%add3A_402, %dma_start3A_405] : memref<32768x1024xf32, #tpu.memory_space<hbm>> -> memref<8x1024xf32, #tpu.memory_space<hbm>>
      tpu.enqueue_dma source(%arg6 : memref<8x1024xf32, #tpu.memory_space<vmem>>) target(%dma_start3A_406 : memref<8x1024xf32, #tpu.memory_space<hbm>>) target_semaphore(%arg22 : memref<!tpu.dma_semaphore, #tpu.memory_space<semaphore_mem>>)
      %add3A_407 = arith.constant 1 : i32
      %add3A_408 = arith.addi %mul3A_376, %add3A_407 : i32
      %dma_wait3A_409 = arith.constant 0 : i32
      %dma_wait3A_410 = arith.constant 0 : i32
      %dma_wait3A_411 = tpu.memref_slice %arg3[%dma_wait3A_409, %dma_wait3A_410] : memref<8192x1024xf32, #tpu.memory_space<hbm>> -> memref<8x1024xf32, #tpu.memory_space<hbm>>
      %dma_wait3A_412 = arith.constant 0 : i32
      %dma_wait3A_413 = arith.constant 0 : i32
      %dma_wait3A_414 = tpu.memref_slice %arg3[%dma_wait3A_412, %dma_wait3A_413] : memref<8192x1024xf32, #tpu.memory_space<hbm>> -> memref<8x1024xf32, #tpu.memory_space<hbm>>
      tpu.wait_dma2 semaphore(%arg22 : memref<!tpu.dma_semaphore, #tpu.memory_space<semaphore_mem>>) src(%dma_wait3A_414 : memref<8x1024xf32, #tpu.memory_space<hbm>>) dst(%arg6 : memref<8x1024xf32, #tpu.memory_space<vmem>>)
      %add3A_415 = arith.constant 8 : i32
      %add3A_416 = arith.addi %add3A_408, %add3A_415 : i32
      %sub3A_417 = arith.constant 1 : i32
      %sub3A_418 = arith.subi %add3A_416, %sub3A_417 : i32
      %mul3A_419 = arith.constant 8 : i32
      %mul3A_420 = arith.muli %sub3A_418, %mul3A_419 : i32
      %dma_start3A_421 = tpu.memref_slice %arg5[%mul3A_420] : memref<1024xi32, #tpu.memory_space<vmem>> -> memref<8xi32, #tpu.memory_space<vmem>>
      %dma_start3A_422 = arith.constant 0 : i32
      %dma_start3A_423 = arith.constant 0 : i32
      %dma_start3A_424 = tpu.memref_slice %arg3[%dma_start3A_422, %dma_start3A_423] : memref<8192x1024xf32, #tpu.memory_space<hbm>> -> memref<8192x1024xf32, #tpu.memory_space<hbm>>
      tpu.enqueue_indirect_dma source(%dma_start3A_424 : memref<8192x1024xf32, #tpu.memory_space<hbm>>) target(%arg6 : memref<8x1024xf32, #tpu.memory_space<vmem>>) offsets(%dma_start3A_421 : memref<8xi32, #tpu.memory_space<vmem>>) semaphore(%arg14 : memref<!tpu.dma_semaphore, #tpu.memory_space<semaphore_mem>>)
      %dma_wait3A_425 = arith.constant 0 : i32
      %dma_wait3A_426 = arith.constant 0 : i32
      %dma_wait3A_427 = tpu.memref_slice %arg3[%dma_wait3A_425, %dma_wait3A_426] : memref<8192x1024xf32, #tpu.memory_space<hbm>> -> memref<8x1024xf32, #tpu.memory_space<hbm>>
      %dma_wait3A_428 = arith.constant 0 : i32
      %dma_wait3A_429 = arith.constant 0 : i32
      %dma_wait3A_430 = tpu.memref_slice %arg3[%dma_wait3A_428, %dma_wait3A_429] : memref<8192x1024xf32, #tpu.memory_space<hbm>> -> memref<8x1024xf32, #tpu.memory_space<hbm>>
      tpu.wait_dma2 semaphore(%arg15 : memref<!tpu.dma_semaphore, #tpu.memory_space<semaphore_mem>>) src(%dma_wait3A_430 : memref<8x1024xf32, #tpu.memory_space<hbm>>) dst(%arg7 : memref<8x1024xf32, #tpu.memory_space<vmem>>)
      %mul3A_431 = arith.constant 8 : i32
      %mul3A_432 = arith.muli %add3A_408, %mul3A_431 : i32
      %add3A_433 = arith.addi %mul3A_2, %mul3A_432 : i32
      %dma_start3A_434 = arith.constant 0 : i32
      %dma_start3A_435 = tpu.memref_slice %arg4[%add3A_433, %dma_start3A_434] : memref<32768x1024xf32, #tpu.memory_space<hbm>> -> memref<8x1024xf32, #tpu.memory_space<hbm>>
      %dma_start3A_436 = arith.constant 0 : i32
      %dma_start3A_437 = tpu.memref_slice %arg4[%add3A_433, %dma_start3A_436] : memref<32768x1024xf32, #tpu.memory_space<hbm>> -> memref<8x1024xf32, #tpu.memory_space<hbm>>
      tpu.enqueue_dma source(%arg7 : memref<8x1024xf32, #tpu.memory_space<vmem>>) target(%dma_start3A_437 : memref<8x1024xf32, #tpu.memory_space<hbm>>) target_semaphore(%arg23 : memref<!tpu.dma_semaphore, #tpu.memory_space<semaphore_mem>>)
      %add3A_438 = arith.constant 2 : i32
      %add3A_439 = arith.addi %mul3A_376, %add3A_438 : i32
      %dma_wait3A_440 = arith.constant 0 : i32
      %dma_wait3A_441 = arith.constant 0 : i32
      %dma_wait3A_442 = tpu.memref_slice %arg3[%dma_wait3A_440, %dma_wait3A_441] : memref<8192x1024xf32, #tpu.memory_space<hbm>> -> memref<8x1024xf32, #tpu.memory_space<hbm>>
      %dma_wait3A_443 = arith.constant 0 : i32
      %dma_wait3A_444 = arith.constant 0 : i32
      %dma_wait3A_445 = tpu.memref_slice %arg3[%dma_wait3A_443, %dma_wait3A_444] : memref<8192x1024xf32, #tpu.memory_space<hbm>> -> memref<8x1024xf32, #tpu.memory_space<hbm>>
      tpu.wait_dma2 semaphore(%arg23 : memref<!tpu.dma_semaphore, #tpu.memory_space<semaphore_mem>>) src(%dma_wait3A_445 : memref<8x1024xf32, #tpu.memory_space<hbm>>) dst(%arg7 : memref<8x1024xf32, #tpu.memory_space<vmem>>)
      %add3A_446 = arith.constant 8 : i32
      %add3A_447 = arith.addi %add3A_439, %add3A_446 : i32
      %sub3A_448 = arith.constant 1 : i32
      %sub3A_449 = arith.subi %add3A_447, %sub3A_448 : i32
      %mul3A_450 = arith.constant 8 : i32
      %mul3A_451 = arith.muli %sub3A_449, %mul3A_450 : i32
      %dma_start3A_452 = tpu.memref_slice %arg5[%mul3A_451] : memref<1024xi32, #tpu.memory_space<vmem>> -> memref<8xi32, #tpu.memory_space<vmem>>
      %dma_start3A_453 = arith.constant 0 : i32
      %dma_start3A_454 = arith.constant 0 : i32
      %dma_start3A_455 = tpu.memref_slice %arg3[%dma_start3A_453, %dma_start3A_454] : memref<8192x1024xf32, #tpu.memory_space<hbm>> -> memref<8192x1024xf32, #tpu.memory_space<hbm>>
      tpu.enqueue_indirect_dma source(%dma_start3A_455 : memref<8192x1024xf32, #tpu.memory_space<hbm>>) target(%arg7 : memref<8x1024xf32, #tpu.memory_space<vmem>>) offsets(%dma_start3A_452 : memref<8xi32, #tpu.memory_space<vmem>>) semaphore(%arg15 : memref<!tpu.dma_semaphore, #tpu.memory_space<semaphore_mem>>)
      %dma_wait3A_456 = arith.constant 0 : i32
      %dma_wait3A_457 = arith.constant 0 : i32
      %dma_wait3A_458 = tpu.memref_slice %arg3[%dma_wait3A_456, %dma_wait3A_457] : memref<8192x1024xf32, #tpu.memory_space<hbm>> -> memref<8x1024xf32, #tpu.memory_space<hbm>>
      %dma_wait3A_459 = arith.constant 0 : i32
      %dma_wait3A_460 = arith.constant 0 : i32
      %dma_wait3A_461 = tpu.memref_slice %arg3[%dma_wait3A_459, %dma_wait3A_460] : memref<8192x1024xf32, #tpu.memory_space<hbm>> -> memref<8x1024xf32, #tpu.memory_space<hbm>>
      tpu.wait_dma2 semaphore(%arg16 : memref<!tpu.dma_semaphore, #tpu.memory_space<semaphore_mem>>) src(%dma_wait3A_461 : memref<8x1024xf32, #tpu.memory_space<hbm>>) dst(%arg8 : memref<8x1024xf32, #tpu.memory_space<vmem>>)
      %mul3A_462 = arith.constant 8 : i32
      %mul3A_463 = arith.muli %add3A_439, %mul3A_462 : i32
      %add3A_464 = arith.addi %mul3A_2, %mul3A_463 : i32
      %dma_start3A_465 = arith.constant 0 : i32
      %dma_start3A_466 = tpu.memref_slice %arg4[%add3A_464, %dma_start3A_465] : memref<32768x1024xf32, #tpu.memory_space<hbm>> -> memref<8x1024xf32, #tpu.memory_space<hbm>>
      %dma_start3A_467 = arith.constant 0 : i32
      %dma_start3A_468 = tpu.memref_slice %arg4[%add3A_464, %dma_start3A_467] : memref<32768x1024xf32, #tpu.memory_space<hbm>> -> memref<8x1024xf32, #tpu.memory_space<hbm>>
      tpu.enqueue_dma source(%arg8 : memref<8x1024xf32, #tpu.memory_space<vmem>>) target(%dma_start3A_468 : memref<8x1024xf32, #tpu.memory_space<hbm>>) target_semaphore(%arg24 : memref<!tpu.dma_semaphore, #tpu.memory_space<semaphore_mem>>)
      %add3A_469 = arith.constant 3 : i32
      %add3A_470 = arith.addi %mul3A_376, %add3A_469 : i32
      %dma_wait3A_471 = arith.constant 0 : i32
      %dma_wait3A_472 = arith.constant 0 : i32
      %dma_wait3A_473 = tpu.memref_slice %arg3[%dma_wait3A_471, %dma_wait3A_472] : memref<8192x1024xf32, #tpu.memory_space<hbm>> -> memref<8x1024xf32, #tpu.memory_space<hbm>>
      %dma_wait3A_474 = arith.constant 0 : i32
      %dma_wait3A_475 = arith.constant 0 : i32
      %dma_wait3A_476 = tpu.memref_slice %arg3[%dma_wait3A_474, %dma_wait3A_475] : memref<8192x1024xf32, #tpu.memory_space<hbm>> -> memref<8x1024xf32, #tpu.memory_space<hbm>>
      tpu.wait_dma2 semaphore(%arg24 : memref<!tpu.dma_semaphore, #tpu.memory_space<semaphore_mem>>) src(%dma_wait3A_476 : memref<8x1024xf32, #tpu.memory_space<hbm>>) dst(%arg8 : memref<8x1024xf32, #tpu.memory_space<vmem>>)
      %add3A_477 = arith.constant 8 : i32
      %add3A_478 = arith.addi %add3A_470, %add3A_477 : i32
      %sub3A_479 = arith.constant 1 : i32
      %sub3A_480 = arith.subi %add3A_478, %sub3A_479 : i32
      %mul3A_481 = arith.constant 8 : i32
      %mul3A_482 = arith.muli %sub3A_480, %mul3A_481 : i32
      %dma_start3A_483 = tpu.memref_slice %arg5[%mul3A_482] : memref<1024xi32, #tpu.memory_space<vmem>> -> memref<8xi32, #tpu.memory_space<vmem>>
      %dma_start3A_484 = arith.constant 0 : i32
      %dma_start3A_485 = arith.constant 0 : i32
      %dma_start3A_486 = tpu.memref_slice %arg3[%dma_start3A_484, %dma_start3A_485] : memref<8192x1024xf32, #tpu.memory_space<hbm>> -> memref<8192x1024xf32, #tpu.memory_space<hbm>>
      tpu.enqueue_indirect_dma source(%dma_start3A_486 : memref<8192x1024xf32, #tpu.memory_space<hbm>>) target(%arg8 : memref<8x1024xf32, #tpu.memory_space<vmem>>) offsets(%dma_start3A_483 : memref<8xi32, #tpu.memory_space<vmem>>) semaphore(%arg16 : memref<!tpu.dma_semaphore, #tpu.memory_space<semaphore_mem>>)
      %dma_wait3A_487 = arith.constant 0 : i32
      %dma_wait3A_488 = arith.constant 0 : i32
      %dma_wait3A_489 = tpu.memref_slice %arg3[%dma_wait3A_487, %dma_wait3A_488] : memref<8192x1024xf32, #tpu.memory_space<hbm>> -> memref<8x1024xf32, #tpu.memory_space<hbm>>
      %dma_wait3A_490 = arith.constant 0 : i32
      %dma_wait3A_491 = arith.constant 0 : i32
      %dma_wait3A_492 = tpu.memref_slice %arg3[%dma_wait3A_490, %dma_wait3A_491] : memref<8192x1024xf32, #tpu.memory_space<hbm>> -> memref<8x1024xf32, #tpu.memory_space<hbm>>
      tpu.wait_dma2 semaphore(%arg17 : memref<!tpu.dma_semaphore, #tpu.memory_space<semaphore_mem>>) src(%dma_wait3A_492 : memref<8x1024xf32, #tpu.memory_space<hbm>>) dst(%arg9 : memref<8x1024xf32, #tpu.memory_space<vmem>>)
      %mul3A_493 = arith.constant 8 : i32
      %mul3A_494 = arith.muli %add3A_470, %mul3A_493 : i32
      %add3A_495 = arith.addi %mul3A_2, %mul3A_494 : i32
      %dma_start3A_496 = arith.constant 0 : i32
      %dma_start3A_497 = tpu.memref_slice %arg4[%add3A_495, %dma_start3A_496] : memref<32768x1024xf32, #tpu.memory_space<hbm>> -> memref<8x1024xf32, #tpu.memory_space<hbm>>
      %dma_start3A_498 = arith.constant 0 : i32
      %dma_start3A_499 = tpu.memref_slice %arg4[%add3A_495, %dma_start3A_498] : memref<32768x1024xf32, #tpu.memory_space<hbm>> -> memref<8x1024xf32, #tpu.memory_space<hbm>>
      tpu.enqueue_dma source(%arg9 : memref<8x1024xf32, #tpu.memory_space<vmem>>) target(%dma_start3A_499 : memref<8x1024xf32, #tpu.memory_space<hbm>>) target_semaphore(%arg25 : memref<!tpu.dma_semaphore, #tpu.memory_space<semaphore_mem>>)
      %add3A_500 = arith.constant 4 : i32
      %add3A_501 = arith.addi %mul3A_376, %add3A_500 : i32
      %dma_wait3A_502 = arith.constant 0 : i32
      %dma_wait3A_503 = arith.constant 0 : i32
      %dma_wait3A_504 = tpu.memref_slice %arg3[%dma_wait3A_502, %dma_wait3A_503] : memref<8192x1024xf32, #tpu.memory_space<hbm>> -> memref<8x1024xf32, #tpu.memory_space<hbm>>
      %dma_wait3A_505 = arith.constant 0 : i32
      %dma_wait3A_506 = arith.constant 0 : i32
      %dma_wait3A_507 = tpu.memref_slice %arg3[%dma_wait3A_505, %dma_wait3A_506] : memref<8192x1024xf32, #tpu.memory_space<hbm>> -> memref<8x1024xf32, #tpu.memory_space<hbm>>
      tpu.wait_dma2 semaphore(%arg25 : memref<!tpu.dma_semaphore, #tpu.memory_space<semaphore_mem>>) src(%dma_wait3A_507 : memref<8x1024xf32, #tpu.memory_space<hbm>>) dst(%arg9 : memref<8x1024xf32, #tpu.memory_space<vmem>>)
      %add3A_508 = arith.constant 8 : i32
      %add3A_509 = arith.addi %add3A_501, %add3A_508 : i32
      %sub3A_510 = arith.constant 1 : i32
      %sub3A_511 = arith.subi %add3A_509, %sub3A_510 : i32
      %mul3A_512 = arith.constant 8 : i32
      %mul3A_513 = arith.muli %sub3A_511, %mul3A_512 : i32
      %dma_start3A_514 = tpu.memref_slice %arg5[%mul3A_513] : memref<1024xi32, #tpu.memory_space<vmem>> -> memref<8xi32, #tpu.memory_space<vmem>>
      %dma_start3A_515 = arith.constant 0 : i32
      %dma_start3A_516 = arith.constant 0 : i32
      %dma_start3A_517 = tpu.memref_slice %arg3[%dma_start3A_515, %dma_start3A_516] : memref<8192x1024xf32, #tpu.memory_space<hbm>> -> memref<8192x1024xf32, #tpu.memory_space<hbm>>
      tpu.enqueue_indirect_dma source(%dma_start3A_517 : memref<8192x1024xf32, #tpu.memory_space<hbm>>) target(%arg9 : memref<8x1024xf32, #tpu.memory_space<vmem>>) offsets(%dma_start3A_514 : memref<8xi32, #tpu.memory_space<vmem>>) semaphore(%arg17 : memref<!tpu.dma_semaphore, #tpu.memory_space<semaphore_mem>>)
      %dma_wait3A_518 = arith.constant 0 : i32
      %dma_wait3A_519 = arith.constant 0 : i32
      %dma_wait3A_520 = tpu.memref_slice %arg3[%dma_wait3A_518, %dma_wait3A_519] : memref<8192x1024xf32, #tpu.memory_space<hbm>> -> memref<8x1024xf32, #tpu.memory_space<hbm>>
      %dma_wait3A_521 = arith.constant 0 : i32
      %dma_wait3A_522 = arith.constant 0 : i32
      %dma_wait3A_523 = tpu.memref_slice %arg3[%dma_wait3A_521, %dma_wait3A_522] : memref<8192x1024xf32, #tpu.memory_space<hbm>> -> memref<8x1024xf32, #tpu.memory_space<hbm>>
      tpu.wait_dma2 semaphore(%arg18 : memref<!tpu.dma_semaphore, #tpu.memory_space<semaphore_mem>>) src(%dma_wait3A_523 : memref<8x1024xf32, #tpu.memory_space<hbm>>) dst(%arg10 : memref<8x1024xf32, #tpu.memory_space<vmem>>)
      %mul3A_524 = arith.constant 8 : i32
      %mul3A_525 = arith.muli %add3A_501, %mul3A_524 : i32
      %add3A_526 = arith.addi %mul3A_2, %mul3A_525 : i32
      %dma_start3A_527 = arith.constant 0 : i32
      %dma_start3A_528 = tpu.memref_slice %arg4[%add3A_526, %dma_start3A_527] : memref<32768x1024xf32, #tpu.memory_space<hbm>> -> memref<8x1024xf32, #tpu.memory_space<hbm>>
      %dma_start3A_529 = arith.constant 0 : i32
      %dma_start3A_530 = tpu.memref_slice %arg4[%add3A_526, %dma_start3A_529] : memref<32768x1024xf32, #tpu.memory_space<hbm>> -> memref<8x1024xf32, #tpu.memory_space<hbm>>
      tpu.enqueue_dma source(%arg10 : memref<8x1024xf32, #tpu.memory_space<vmem>>) target(%dma_start3A_530 : memref<8x1024xf32, #tpu.memory_space<hbm>>) target_semaphore(%arg26 : memref<!tpu.dma_semaphore, #tpu.memory_space<semaphore_mem>>)
      %add3A_531 = arith.constant 5 : i32
      %add3A_532 = arith.addi %mul3A_376, %add3A_531 : i32
      %dma_wait3A_533 = arith.constant 0 : i32
      %dma_wait3A_534 = arith.constant 0 : i32
      %dma_wait3A_535 = tpu.memref_slice %arg3[%dma_wait3A_533, %dma_wait3A_534] : memref<8192x1024xf32, #tpu.memory_space<hbm>> -> memref<8x1024xf32, #tpu.memory_space<hbm>>
      %dma_wait3A_536 = arith.constant 0 : i32
      %dma_wait3A_537 = arith.constant 0 : i32
      %dma_wait3A_538 = tpu.memref_slice %arg3[%dma_wait3A_536, %dma_wait3A_537] : memref<8192x1024xf32, #tpu.memory_space<hbm>> -> memref<8x1024xf32, #tpu.memory_space<hbm>>
      tpu.wait_dma2 semaphore(%arg26 : memref<!tpu.dma_semaphore, #tpu.memory_space<semaphore_mem>>) src(%dma_wait3A_538 : memref<8x1024xf32, #tpu.memory_space<hbm>>) dst(%arg10 : memref<8x1024xf32, #tpu.memory_space<vmem>>)
      %add3A_539 = arith.constant 8 : i32
      %add3A_540 = arith.addi %add3A_532, %add3A_539 : i32
      %sub3A_541 = arith.constant 1 : i32
      %sub3A_542 = arith.subi %add3A_540, %sub3A_541 : i32
      %mul3A_543 = arith.constant 8 : i32
      %mul3A_544 = arith.muli %sub3A_542, %mul3A_543 : i32
      %dma_start3A_545 = tpu.memref_slice %arg5[%mul3A_544] : memref<1024xi32, #tpu.memory_space<vmem>> -> memref<8xi32, #tpu.memory_space<vmem>>
      %dma_start3A_546 = arith.constant 0 : i32
      %dma_start3A_547 = arith.constant 0 : i32
      %dma_start3A_548 = tpu.memref_slice %arg3[%dma_start3A_546, %dma_start3A_547] : memref<8192x1024xf32, #tpu.memory_space<hbm>> -> memref<8192x1024xf32, #tpu.memory_space<hbm>>
      tpu.enqueue_indirect_dma source(%dma_start3A_548 : memref<8192x1024xf32, #tpu.memory_space<hbm>>) target(%arg10 : memref<8x1024xf32, #tpu.memory_space<vmem>>) offsets(%dma_start3A_545 : memref<8xi32, #tpu.memory_space<vmem>>) semaphore(%arg18 : memref<!tpu.dma_semaphore, #tpu.memory_space<semaphore_mem>>)
      %dma_wait3A_549 = arith.constant 0 : i32
      %dma_wait3A_550 = arith.constant 0 : i32
      %dma_wait3A_551 = tpu.memref_slice %arg3[%dma_wait3A_549, %dma_wait3A_550] : memref<8192x1024xf32, #tpu.memory_space<hbm>> -> memref<8x1024xf32, #tpu.memory_space<hbm>>
      %dma_wait3A_552 = arith.constant 0 : i32
      %dma_wait3A_553 = arith.constant 0 : i32
      %dma_wait3A_554 = tpu.memref_slice %arg3[%dma_wait3A_552, %dma_wait3A_553] : memref<8192x1024xf32, #tpu.memory_space<hbm>> -> memref<8x1024xf32, #tpu.memory_space<hbm>>
      tpu.wait_dma2 semaphore(%arg19 : memref<!tpu.dma_semaphore, #tpu.memory_space<semaphore_mem>>) src(%dma_wait3A_554 : memref<8x1024xf32, #tpu.memory_space<hbm>>) dst(%arg11 : memref<8x1024xf32, #tpu.memory_space<vmem>>)
      %mul3A_555 = arith.constant 8 : i32
      %mul3A_556 = arith.muli %add3A_532, %mul3A_555 : i32
      %add3A_557 = arith.addi %mul3A_2, %mul3A_556 : i32
      %dma_start3A_558 = arith.constant 0 : i32
      %dma_start3A_559 = tpu.memref_slice %arg4[%add3A_557, %dma_start3A_558] : memref<32768x1024xf32, #tpu.memory_space<hbm>> -> memref<8x1024xf32, #tpu.memory_space<hbm>>
      %dma_start3A_560 = arith.constant 0 : i32
      %dma_start3A_561 = tpu.memref_slice %arg4[%add3A_557, %dma_start3A_560] : memref<32768x1024xf32, #tpu.memory_space<hbm>> -> memref<8x1024xf32, #tpu.memory_space<hbm>>
      tpu.enqueue_dma source(%arg11 : memref<8x1024xf32, #tpu.memory_space<vmem>>) target(%dma_start3A_561 : memref<8x1024xf32, #tpu.memory_space<hbm>>) target_semaphore(%arg27 : memref<!tpu.dma_semaphore, #tpu.memory_space<semaphore_mem>>)
      %add3A_562 = arith.constant 6 : i32
      %add3A_563 = arith.addi %mul3A_376, %add3A_562 : i32
      %dma_wait3A_564 = arith.constant 0 : i32
      %dma_wait3A_565 = arith.constant 0 : i32
      %dma_wait3A_566 = tpu.memref_slice %arg3[%dma_wait3A_564, %dma_wait3A_565] : memref<8192x1024xf32, #tpu.memory_space<hbm>> -> memref<8x1024xf32, #tpu.memory_space<hbm>>
      %dma_wait3A_567 = arith.constant 0 : i32
      %dma_wait3A_568 = arith.constant 0 : i32
      %dma_wait3A_569 = tpu.memref_slice %arg3[%dma_wait3A_567, %dma_wait3A_568] : memref<8192x1024xf32, #tpu.memory_space<hbm>> -> memref<8x1024xf32, #tpu.memory_space<hbm>>
      tpu.wait_dma2 semaphore(%arg27 : memref<!tpu.dma_semaphore, #tpu.memory_space<semaphore_mem>>) src(%dma_wait3A_569 : memref<8x1024xf32, #tpu.memory_space<hbm>>) dst(%arg11 : memref<8x1024xf32, #tpu.memory_space<vmem>>)
      %add3A_570 = arith.constant 8 : i32
      %add3A_571 = arith.addi %add3A_563, %add3A_570 : i32
      %sub3A_572 = arith.constant 1 : i32
      %sub3A_573 = arith.subi %add3A_571, %sub3A_572 : i32
      %mul3A_574 = arith.constant 8 : i32
      %mul3A_575 = arith.muli %sub3A_573, %mul3A_574 : i32
      %dma_start3A_576 = tpu.memref_slice %arg5[%mul3A_575] : memref<1024xi32, #tpu.memory_space<vmem>> -> memref<8xi32, #tpu.memory_space<vmem>>
      %dma_start3A_577 = arith.constant 0 : i32
      %dma_start3A_578 = arith.constant 0 : i32
      %dma_start3A_579 = tpu.memref_slice %arg3[%dma_start3A_577, %dma_start3A_578] : memref<8192x1024xf32, #tpu.memory_space<hbm>> -> memref<8192x1024xf32, #tpu.memory_space<hbm>>
      tpu.enqueue_indirect_dma source(%dma_start3A_579 : memref<8192x1024xf32, #tpu.memory_space<hbm>>) target(%arg11 : memref<8x1024xf32, #tpu.memory_space<vmem>>) offsets(%dma_start3A_576 : memref<8xi32, #tpu.memory_space<vmem>>) semaphore(%arg19 : memref<!tpu.dma_semaphore, #tpu.memory_space<semaphore_mem>>)
      %dma_wait3A_580 = arith.constant 0 : i32
      %dma_wait3A_581 = arith.constant 0 : i32
      %dma_wait3A_582 = tpu.memref_slice %arg3[%dma_wait3A_580, %dma_wait3A_581] : memref<8192x1024xf32, #tpu.memory_space<hbm>> -> memref<8x1024xf32, #tpu.memory_space<hbm>>
      %dma_wait3A_583 = arith.constant 0 : i32
      %dma_wait3A_584 = arith.constant 0 : i32
      %dma_wait3A_585 = tpu.memref_slice %arg3[%dma_wait3A_583, %dma_wait3A_584] : memref<8192x1024xf32, #tpu.memory_space<hbm>> -> memref<8x1024xf32, #tpu.memory_space<hbm>>
      tpu.wait_dma2 semaphore(%arg20 : memref<!tpu.dma_semaphore, #tpu.memory_space<semaphore_mem>>) src(%dma_wait3A_585 : memref<8x1024xf32, #tpu.memory_space<hbm>>) dst(%arg12 : memref<8x1024xf32, #tpu.memory_space<vmem>>)
      %mul3A_586 = arith.constant 8 : i32
      %mul3A_587 = arith.muli %add3A_563, %mul3A_586 : i32
      %add3A_588 = arith.addi %mul3A_2, %mul3A_587 : i32
      %dma_start3A_589 = arith.constant 0 : i32
      %dma_start3A_590 = tpu.memref_slice %arg4[%add3A_588, %dma_start3A_589] : memref<32768x1024xf32, #tpu.memory_space<hbm>> -> memref<8x1024xf32, #tpu.memory_space<hbm>>
      %dma_start3A_591 = arith.constant 0 : i32
      %dma_start3A_592 = tpu.memref_slice %arg4[%add3A_588, %dma_start3A_591] : memref<32768x1024xf32, #tpu.memory_space<hbm>> -> memref<8x1024xf32, #tpu.memory_space<hbm>>
      tpu.enqueue_dma source(%arg12 : memref<8x1024xf32, #tpu.memory_space<vmem>>) target(%dma_start3A_592 : memref<8x1024xf32, #tpu.memory_space<hbm>>) target_semaphore(%arg28 : memref<!tpu.dma_semaphore, #tpu.memory_space<semaphore_mem>>)
      %add3A_593 = arith.constant 7 : i32
      %add3A_594 = arith.addi %mul3A_376, %add3A_593 : i32
      %dma_wait3A_595 = arith.constant 0 : i32
      %dma_wait3A_596 = arith.constant 0 : i32
      %dma_wait3A_597 = tpu.memref_slice %arg3[%dma_wait3A_595, %dma_wait3A_596] : memref<8192x1024xf32, #tpu.memory_space<hbm>> -> memref<8x1024xf32, #tpu.memory_space<hbm>>
      %dma_wait3A_598 = arith.constant 0 : i32
      %dma_wait3A_599 = arith.constant 0 : i32
      %dma_wait3A_600 = tpu.memref_slice %arg3[%dma_wait3A_598, %dma_wait3A_599] : memref<8192x1024xf32, #tpu.memory_space<hbm>> -> memref<8x1024xf32, #tpu.memory_space<hbm>>
      tpu.wait_dma2 semaphore(%arg28 : memref<!tpu.dma_semaphore, #tpu.memory_space<semaphore_mem>>) src(%dma_wait3A_600 : memref<8x1024xf32, #tpu.memory_space<hbm>>) dst(%arg12 : memref<8x1024xf32, #tpu.memory_space<vmem>>)
      %add3A_601 = arith.constant 8 : i32
      %add3A_602 = arith.addi %add3A_594, %add3A_601 : i32
      %sub3A_603 = arith.constant 1 : i32
      %sub3A_604 = arith.subi %add3A_602, %sub3A_603 : i32
      %mul3A_605 = arith.constant 8 : i32
      %mul3A_606 = arith.muli %sub3A_604, %mul3A_605 : i32
      %dma_start3A_607 = tpu.memref_slice %arg5[%mul3A_606] : memref<1024xi32, #tpu.memory_space<vmem>> -> memref<8xi32, #tpu.memory_space<vmem>>
      %dma_start3A_608 = arith.constant 0 : i32
      %dma_start3A_609 = arith.constant 0 : i32
      %dma_start3A_610 = tpu.memref_slice %arg3[%dma_start3A_608, %dma_start3A_609] : memref<8192x1024xf32, #tpu.memory_space<hbm>> -> memref<8192x1024xf32, #tpu.memory_space<hbm>>
      tpu.enqueue_indirect_dma source(%dma_start3A_610 : memref<8192x1024xf32, #tpu.memory_space<hbm>>) target(%arg12 : memref<8x1024xf32, #tpu.memory_space<vmem>>) offsets(%dma_start3A_607 : memref<8xi32, #tpu.memory_space<vmem>>) semaphore(%arg20 : memref<!tpu.dma_semaphore, #tpu.memory_space<semaphore_mem>>)
      %dma_wait3A_611 = arith.constant 0 : i32
      %dma_wait3A_612 = arith.constant 0 : i32
      %dma_wait3A_613 = tpu.memref_slice %arg3[%dma_wait3A_611, %dma_wait3A_612] : memref<8192x1024xf32, #tpu.memory_space<hbm>> -> memref<8x1024xf32, #tpu.memory_space<hbm>>
      %dma_wait3A_614 = arith.constant 0 : i32
      %dma_wait3A_615 = arith.constant 0 : i32
      %dma_wait3A_616 = tpu.memref_slice %arg3[%dma_wait3A_614, %dma_wait3A_615] : memref<8192x1024xf32, #tpu.memory_space<hbm>> -> memref<8x1024xf32, #tpu.memory_space<hbm>>
      tpu.wait_dma2 semaphore(%arg21 : memref<!tpu.dma_semaphore, #tpu.memory_space<semaphore_mem>>) src(%dma_wait3A_616 : memref<8x1024xf32, #tpu.memory_space<hbm>>) dst(%arg13 : memref<8x1024xf32, #tpu.memory_space<vmem>>)
      %mul3A_617 = arith.constant 8 : i32
      %mul3A_618 = arith.muli %add3A_594, %mul3A_617 : i32
      %add3A_619 = arith.addi %mul3A_2, %mul3A_618 : i32
      %dma_start3A_620 = arith.constant 0 : i32
      %dma_start3A_621 = tpu.memref_slice %arg4[%add3A_619, %dma_start3A_620] : memref<32768x1024xf32, #tpu.memory_space<hbm>> -> memref<8x1024xf32, #tpu.memory_space<hbm>>
      %dma_start3A_622 = arith.constant 0 : i32
      %dma_start3A_623 = tpu.memref_slice %arg4[%add3A_619, %dma_start3A_622] : memref<32768x1024xf32, #tpu.memory_space<hbm>> -> memref<8x1024xf32, #tpu.memory_space<hbm>>
      tpu.enqueue_dma source(%arg13 : memref<8x1024xf32, #tpu.memory_space<vmem>>) target(%dma_start3A_623 : memref<8x1024xf32, #tpu.memory_space<hbm>>) target_semaphore(%arg29 : memref<!tpu.dma_semaphore, #tpu.memory_space<semaphore_mem>>)
    }
    %scan3A_218 = arith.constant 14 : i32
    %dma_wait3A_219 = arith.constant 0 : i32
    %dma_wait3A_220 = arith.constant 0 : i32
    %dma_wait3A_221 = tpu.memref_slice %arg3[%dma_wait3A_219, %dma_wait3A_220] : memref<8192x1024xf32, #tpu.memory_space<hbm>> -> memref<8x1024xf32, #tpu.memory_space<hbm>>
    %dma_wait3A_222 = arith.constant 0 : i32
    %dma_wait3A_223 = arith.constant 0 : i32
    %dma_wait3A_224 = tpu.memref_slice %arg3[%dma_wait3A_222, %dma_wait3A_223] : memref<8192x1024xf32, #tpu.memory_space<hbm>> -> memref<8x1024xf32, #tpu.memory_space<hbm>>
    tpu.wait_dma2 semaphore(%arg29 : memref<!tpu.dma_semaphore, #tpu.memory_space<semaphore_mem>>) src(%dma_wait3A_224 : memref<8x1024xf32, #tpu.memory_space<hbm>>) dst(%arg13 : memref<8x1024xf32, #tpu.memory_space<vmem>>)
    %dma_start3A_225 = arith.constant 1016 : i32
    %dma_start3A_226 = tpu.memref_slice %arg5[%dma_start3A_225] : memref<1024xi32, #tpu.memory_space<vmem>> -> memref<8xi32, #tpu.memory_space<vmem>>
    %dma_start3A_227 = arith.constant 0 : i32
    %dma_start3A_228 = arith.constant 0 : i32
    %dma_start3A_229 = tpu.memref_slice %arg3[%dma_start3A_227, %dma_start3A_228] : memref<8192x1024xf32, #tpu.memory_space<hbm>> -> memref<8192x1024xf32, #tpu.memory_space<hbm>>
    tpu.enqueue_indirect_dma source(%dma_start3A_229 : memref<8192x1024xf32, #tpu.memory_space<hbm>>) target(%arg13 : memref<8x1024xf32, #tpu.memory_space<vmem>>) offsets(%dma_start3A_226 : memref<8xi32, #tpu.memory_space<vmem>>) semaphore(%arg21 : memref<!tpu.dma_semaphore, #tpu.memory_space<semaphore_mem>>)
    %dma_wait3A_230 = arith.constant 0 : i32
    %dma_wait3A_231 = arith.constant 0 : i32
    %dma_wait3A_232 = tpu.memref_slice %arg3[%dma_wait3A_230, %dma_wait3A_231] : memref<8192x1024xf32, #tpu.memory_space<hbm>> -> memref<8x1024xf32, #tpu.memory_space<hbm>>
    %dma_wait3A_233 = arith.constant 0 : i32
    %dma_wait3A_234 = arith.constant 0 : i32
    %dma_wait3A_235 = tpu.memref_slice %arg3[%dma_wait3A_233, %dma_wait3A_234] : memref<8192x1024xf32, #tpu.memory_space<hbm>> -> memref<8x1024xf32, #tpu.memory_space<hbm>>
    tpu.wait_dma2 semaphore(%arg14 : memref<!tpu.dma_semaphore, #tpu.memory_space<semaphore_mem>>) src(%dma_wait3A_235 : memref<8x1024xf32, #tpu.memory_space<hbm>>) dst(%arg6 : memref<8x1024xf32, #tpu.memory_space<vmem>>)
    %add3A_236 = arith.constant 960 : i32
    %add3A_237 = arith.addi %mul3A_2, %add3A_236 : i32
    %dma_start3A_238 = arith.constant 0 : i32
    %dma_start3A_239 = tpu.memref_slice %arg4[%add3A_237, %dma_start3A_238] : memref<32768x1024xf32, #tpu.memory_space<hbm>> -> memref<8x1024xf32, #tpu.memory_space<hbm>>
    %dma_start3A_240 = arith.constant 0 : i32
    %dma_start3A_241 = tpu.memref_slice %arg4[%add3A_237, %dma_start3A_240] : memref<32768x1024xf32, #tpu.memory_space<hbm>> -> memref<8x1024xf32, #tpu.memory_space<hbm>>
    tpu.enqueue_dma source(%arg6 : memref<8x1024xf32, #tpu.memory_space<vmem>>) target(%dma_start3A_241 : memref<8x1024xf32, #tpu.memory_space<hbm>>) target_semaphore(%arg22 : memref<!tpu.dma_semaphore, #tpu.memory_space<semaphore_mem>>)
    %dma_wait3A_242 = arith.constant 0 : i32
    %dma_wait3A_243 = arith.constant 0 : i32
    %dma_wait3A_244 = tpu.memref_slice %arg3[%dma_wait3A_242, %dma_wait3A_243] : memref<8192x1024xf32, #tpu.memory_space<hbm>> -> memref<8x1024xf32, #tpu.memory_space<hbm>>
    %dma_wait3A_245 = arith.constant 0 : i32
    %dma_wait3A_246 = arith.constant 0 : i32
    %dma_wait3A_247 = tpu.memref_slice %arg3[%dma_wait3A_245, %dma_wait3A_246] : memref<8192x1024xf32, #tpu.memory_space<hbm>> -> memref<8x1024xf32, #tpu.memory_space<hbm>>
    tpu.wait_dma2 semaphore(%arg15 : memref<!tpu.dma_semaphore, #tpu.memory_space<semaphore_mem>>) src(%dma_wait3A_247 : memref<8x1024xf32, #tpu.memory_space<hbm>>) dst(%arg7 : memref<8x1024xf32, #tpu.memory_space<vmem>>)
    %add3A_248 = arith.constant 968 : i32
    %add3A_249 = arith.addi %mul3A_2, %add3A_248 : i32
    %dma_start3A_250 = arith.constant 0 : i32
    %dma_start3A_251 = tpu.memref_slice %arg4[%add3A_249, %dma_start3A_250] : memref<32768x1024xf32, #tpu.memory_space<hbm>> -> memref<8x1024xf32, #tpu.memory_space<hbm>>
    %dma_start3A_252 = arith.constant 0 : i32
    %dma_start3A_253 = tpu.memref_slice %arg4[%add3A_249, %dma_start3A_252] : memref<32768x1024xf32, #tpu.memory_space<hbm>> -> memref<8x1024xf32, #tpu.memory_space<hbm>>
    tpu.enqueue_dma source(%arg7 : memref<8x1024xf32, #tpu.memory_space<vmem>>) target(%dma_start3A_253 : memref<8x1024xf32, #tpu.memory_space<hbm>>) target_semaphore(%arg23 : memref<!tpu.dma_semaphore, #tpu.memory_space<semaphore_mem>>)
    %dma_wait3A_254 = arith.constant 0 : i32
    %dma_wait3A_255 = arith.constant 0 : i32
    %dma_wait3A_256 = tpu.memref_slice %arg3[%dma_wait3A_254, %dma_wait3A_255] : memref<8192x1024xf32, #tpu.memory_space<hbm>> -> memref<8x1024xf32, #tpu.memory_space<hbm>>
    %dma_wait3A_257 = arith.constant 0 : i32
    %dma_wait3A_258 = arith.constant 0 : i32
    %dma_wait3A_259 = tpu.memref_slice %arg3[%dma_wait3A_257, %dma_wait3A_258] : memref<8192x1024xf32, #tpu.memory_space<hbm>> -> memref<8x1024xf32, #tpu.memory_space<hbm>>
    tpu.wait_dma2 semaphore(%arg16 : memref<!tpu.dma_semaphore, #tpu.memory_space<semaphore_mem>>) src(%dma_wait3A_259 : memref<8x1024xf32, #tpu.memory_space<hbm>>) dst(%arg8 : memref<8x1024xf32, #tpu.memory_space<vmem>>)
    %add3A_260 = arith.constant 976 : i32
    %add3A_261 = arith.addi %mul3A_2, %add3A_260 : i32
    %dma_start3A_262 = arith.constant 0 : i32
    %dma_start3A_263 = tpu.memref_slice %arg4[%add3A_261, %dma_start3A_262] : memref<32768x1024xf32, #tpu.memory_space<hbm>> -> memref<8x1024xf32, #tpu.memory_space<hbm>>
    %dma_start3A_264 = arith.constant 0 : i32
    %dma_start3A_265 = tpu.memref_slice %arg4[%add3A_261, %dma_start3A_264] : memref<32768x1024xf32, #tpu.memory_space<hbm>> -> memref<8x1024xf32, #tpu.memory_space<hbm>>
    tpu.enqueue_dma source(%arg8 : memref<8x1024xf32, #tpu.memory_space<vmem>>) target(%dma_start3A_265 : memref<8x1024xf32, #tpu.memory_space<hbm>>) target_semaphore(%arg24 : memref<!tpu.dma_semaphore, #tpu.memory_space<semaphore_mem>>)
    %dma_wait3A_266 = arith.constant 0 : i32
    %dma_wait3A_267 = arith.constant 0 : i32
    %dma_wait3A_268 = tpu.memref_slice %arg3[%dma_wait3A_266, %dma_wait3A_267] : memref<8192x1024xf32, #tpu.memory_space<hbm>> -> memref<8x1024xf32, #tpu.memory_space<hbm>>
    %dma_wait3A_269 = arith.constant 0 : i32
    %dma_wait3A_270 = arith.constant 0 : i32
    %dma_wait3A_271 = tpu.memref_slice %arg3[%dma_wait3A_269, %dma_wait3A_270] : memref<8192x1024xf32, #tpu.memory_space<hbm>> -> memref<8x1024xf32, #tpu.memory_space<hbm>>
    tpu.wait_dma2 semaphore(%arg17 : memref<!tpu.dma_semaphore, #tpu.memory_space<semaphore_mem>>) src(%dma_wait3A_271 : memref<8x1024xf32, #tpu.memory_space<hbm>>) dst(%arg9 : memref<8x1024xf32, #tpu.memory_space<vmem>>)
    %add3A_272 = arith.constant 984 : i32
    %add3A_273 = arith.addi %mul3A_2, %add3A_272 : i32
    %dma_start3A_274 = arith.constant 0 : i32
    %dma_start3A_275 = tpu.memref_slice %arg4[%add3A_273, %dma_start3A_274] : memref<32768x1024xf32, #tpu.memory_space<hbm>> -> memref<8x1024xf32, #tpu.memory_space<hbm>>
    %dma_start3A_276 = arith.constant 0 : i32
    %dma_start3A_277 = tpu.memref_slice %arg4[%add3A_273, %dma_start3A_276] : memref<32768x1024xf32, #tpu.memory_space<hbm>> -> memref<8x1024xf32, #tpu.memory_space<hbm>>
    tpu.enqueue_dma source(%arg9 : memref<8x1024xf32, #tpu.memory_space<vmem>>) target(%dma_start3A_277 : memref<8x1024xf32, #tpu.memory_space<hbm>>) target_semaphore(%arg25 : memref<!tpu.dma_semaphore, #tpu.memory_space<semaphore_mem>>)
    %dma_wait3A_278 = arith.constant 0 : i32
    %dma_wait3A_279 = arith.constant 0 : i32
    %dma_wait3A_280 = tpu.memref_slice %arg3[%dma_wait3A_278, %dma_wait3A_279] : memref<8192x1024xf32, #tpu.memory_space<hbm>> -> memref<8x1024xf32, #tpu.memory_space<hbm>>
    %dma_wait3A_281 = arith.constant 0 : i32
    %dma_wait3A_282 = arith.constant 0 : i32
    %dma_wait3A_283 = tpu.memref_slice %arg3[%dma_wait3A_281, %dma_wait3A_282] : memref<8192x1024xf32, #tpu.memory_space<hbm>> -> memref<8x1024xf32, #tpu.memory_space<hbm>>
    tpu.wait_dma2 semaphore(%arg18 : memref<!tpu.dma_semaphore, #tpu.memory_space<semaphore_mem>>) src(%dma_wait3A_283 : memref<8x1024xf32, #tpu.memory_space<hbm>>) dst(%arg10 : memref<8x1024xf32, #tpu.memory_space<vmem>>)
    %add3A_284 = arith.constant 992 : i32
    %add3A_285 = arith.addi %mul3A_2, %add3A_284 : i32
    %dma_start3A_286 = arith.constant 0 : i32
    %dma_start3A_287 = tpu.memref_slice %arg4[%add3A_285, %dma_start3A_286] : memref<32768x1024xf32, #tpu.memory_space<hbm>> -> memref<8x1024xf32, #tpu.memory_space<hbm>>
    %dma_start3A_288 = arith.constant 0 : i32
    %dma_start3A_289 = tpu.memref_slice %arg4[%add3A_285, %dma_start3A_288] : memref<32768x1024xf32, #tpu.memory_space<hbm>> -> memref<8x1024xf32, #tpu.memory_space<hbm>>
    tpu.enqueue_dma source(%arg10 : memref<8x1024xf32, #tpu.memory_space<vmem>>) target(%dma_start3A_289 : memref<8x1024xf32, #tpu.memory_space<hbm>>) target_semaphore(%arg26 : memref<!tpu.dma_semaphore, #tpu.memory_space<semaphore_mem>>)
    %dma_wait3A_290 = arith.constant 0 : i32
    %dma_wait3A_291 = arith.constant 0 : i32
    %dma_wait3A_292 = tpu.memref_slice %arg3[%dma_wait3A_290, %dma_wait3A_291] : memref<8192x1024xf32, #tpu.memory_space<hbm>> -> memref<8x1024xf32, #tpu.memory_space<hbm>>
    %dma_wait3A_293 = arith.constant 0 : i32
    %dma_wait3A_294 = arith.constant 0 : i32
    %dma_wait3A_295 = tpu.memref_slice %arg3[%dma_wait3A_293, %dma_wait3A_294] : memref<8192x1024xf32, #tpu.memory_space<hbm>> -> memref<8x1024xf32, #tpu.memory_space<hbm>>
    tpu.wait_dma2 semaphore(%arg19 : memref<!tpu.dma_semaphore, #tpu.memory_space<semaphore_mem>>) src(%dma_wait3A_295 : memref<8x1024xf32, #tpu.memory_space<hbm>>) dst(%arg11 : memref<8x1024xf32, #tpu.memory_space<vmem>>)
    %add3A_296 = arith.constant 1000 : i32
    %add3A_297 = arith.addi %mul3A_2, %add3A_296 : i32
    %dma_start3A_298 = arith.constant 0 : i32
    %dma_start3A_299 = tpu.memref_slice %arg4[%add3A_297, %dma_start3A_298] : memref<32768x1024xf32, #tpu.memory_space<hbm>> -> memref<8x1024xf32, #tpu.memory_space<hbm>>
    %dma_start3A_300 = arith.constant 0 : i32
    %dma_start3A_301 = tpu.memref_slice %arg4[%add3A_297, %dma_start3A_300] : memref<32768x1024xf32, #tpu.memory_space<hbm>> -> memref<8x1024xf32, #tpu.memory_space<hbm>>
    tpu.enqueue_dma source(%arg11 : memref<8x1024xf32, #tpu.memory_space<vmem>>) target(%dma_start3A_301 : memref<8x1024xf32, #tpu.memory_space<hbm>>) target_semaphore(%arg27 : memref<!tpu.dma_semaphore, #tpu.memory_space<semaphore_mem>>)
    %dma_wait3A_302 = arith.constant 0 : i32
    %dma_wait3A_303 = arith.constant 0 : i32
    %dma_wait3A_304 = tpu.memref_slice %arg3[%dma_wait3A_302, %dma_wait3A_303] : memref<8192x1024xf32, #tpu.memory_space<hbm>> -> memref<8x1024xf32, #tpu.memory_space<hbm>>
    %dma_wait3A_305 = arith.constant 0 : i32
    %dma_wait3A_306 = arith.constant 0 : i32
    %dma_wait3A_307 = tpu.memref_slice %arg3[%dma_wait3A_305, %dma_wait3A_306] : memref<8192x1024xf32, #tpu.memory_space<hbm>> -> memref<8x1024xf32, #tpu.memory_space<hbm>>
    tpu.wait_dma2 semaphore(%arg20 : memref<!tpu.dma_semaphore, #tpu.memory_space<semaphore_mem>>) src(%dma_wait3A_307 : memref<8x1024xf32, #tpu.memory_space<hbm>>) dst(%arg12 : memref<8x1024xf32, #tpu.memory_space<vmem>>)
    %add3A_308 = arith.constant 1008 : i32
    %add3A_309 = arith.addi %mul3A_2, %add3A_308 : i32
    %dma_start3A_310 = arith.constant 0 : i32
    %dma_start3A_311 = tpu.memref_slice %arg4[%add3A_309, %dma_start3A_310] : memref<32768x1024xf32, #tpu.memory_space<hbm>> -> memref<8x1024xf32, #tpu.memory_space<hbm>>
    %dma_start3A_312 = arith.constant 0 : i32
    %dma_start3A_313 = tpu.memref_slice %arg4[%add3A_309, %dma_start3A_312] : memref<32768x1024xf32, #tpu.memory_space<hbm>> -> memref<8x1024xf32, #tpu.memory_space<hbm>>
    tpu.enqueue_dma source(%arg12 : memref<8x1024xf32, #tpu.memory_space<vmem>>) target(%dma_start3A_313 : memref<8x1024xf32, #tpu.memory_space<hbm>>) target_semaphore(%arg28 : memref<!tpu.dma_semaphore, #tpu.memory_space<semaphore_mem>>)
    %dma_wait3A_314 = arith.constant 0 : i32
    %dma_wait3A_315 = arith.constant 0 : i32
    %dma_wait3A_316 = tpu.memref_slice %arg3[%dma_wait3A_314, %dma_wait3A_315] : memref<8192x1024xf32, #tpu.memory_space<hbm>> -> memref<8x1024xf32, #tpu.memory_space<hbm>>
    %dma_wait3A_317 = arith.constant 0 : i32
    %dma_wait3A_318 = arith.constant 0 : i32
    %dma_wait3A_319 = tpu.memref_slice %arg3[%dma_wait3A_317, %dma_wait3A_318] : memref<8192x1024xf32, #tpu.memory_space<hbm>> -> memref<8x1024xf32, #tpu.memory_space<hbm>>
    tpu.wait_dma2 semaphore(%arg21 : memref<!tpu.dma_semaphore, #tpu.memory_space<semaphore_mem>>) src(%dma_wait3A_319 : memref<8x1024xf32, #tpu.memory_space<hbm>>) dst(%arg13 : memref<8x1024xf32, #tpu.memory_space<vmem>>)
    %add3A_320 = arith.constant 1016 : i32
    %add3A_321 = arith.addi %mul3A_2, %add3A_320 : i32
    %dma_start3A_322 = arith.constant 0 : i32
    %dma_start3A_323 = tpu.memref_slice %arg4[%add3A_321, %dma_start3A_322] : memref<32768x1024xf32, #tpu.memory_space<hbm>> -> memref<8x1024xf32, #tpu.memory_space<hbm>>
    %dma_start3A_324 = arith.constant 0 : i32
    %dma_start3A_325 = tpu.memref_slice %arg4[%add3A_321, %dma_start3A_324] : memref<32768x1024xf32, #tpu.memory_space<hbm>> -> memref<8x1024xf32, #tpu.memory_space<hbm>>
    tpu.enqueue_dma source(%arg13 : memref<8x1024xf32, #tpu.memory_space<vmem>>) target(%dma_start3A_325 : memref<8x1024xf32, #tpu.memory_space<hbm>>) target_semaphore(%arg29 : memref<!tpu.dma_semaphore, #tpu.memory_space<semaphore_mem>>)
    %dma_wait3A_326 = arith.constant 0 : i32
    %dma_wait3A_327 = arith.constant 0 : i32
    %dma_wait3A_328 = tpu.memref_slice %arg3[%dma_wait3A_326, %dma_wait3A_327] : memref<8192x1024xf32, #tpu.memory_space<hbm>> -> memref<8x1024xf32, #tpu.memory_space<hbm>>
    %dma_wait3A_329 = arith.constant 0 : i32
    %dma_wait3A_330 = arith.constant 0 : i32
    %dma_wait3A_331 = tpu.memref_slice %arg3[%dma_wait3A_329, %dma_wait3A_330] : memref<8192x1024xf32, #tpu.memory_space<hbm>> -> memref<8x1024xf32, #tpu.memory_space<hbm>>
    tpu.wait_dma2 semaphore(%arg22 : memref<!tpu.dma_semaphore, #tpu.memory_space<semaphore_mem>>) src(%dma_wait3A_331 : memref<8x1024xf32, #tpu.memory_space<hbm>>) dst(%arg6 : memref<8x1024xf32, #tpu.memory_space<vmem>>)
    %dma_wait3A_332 = arith.constant 0 : i32
    %dma_wait3A_333 = arith.constant 0 : i32
    %dma_wait3A_334 = tpu.memref_slice %arg3[%dma_wait3A_332, %dma_wait3A_333] : memref<8192x1024xf32, #tpu.memory_space<hbm>> -> memref<8x1024xf32, #tpu.memory_space<hbm>>
    %dma_wait3A_335 = arith.constant 0 : i32
    %dma_wait3A_336 = arith.constant 0 : i32
    %dma_wait3A_337 = tpu.memref_slice %arg3[%dma_wait3A_335, %dma_wait3A_336] : memref<8192x1024xf32, #tpu.memory_space<hbm>> -> memref<8x1024xf32, #tpu.memory_space<hbm>>
    tpu.wait_dma2 semaphore(%arg23 : memref<!tpu.dma_semaphore, #tpu.memory_space<semaphore_mem>>) src(%dma_wait3A_337 : memref<8x1024xf32, #tpu.memory_space<hbm>>) dst(%arg7 : memref<8x1024xf32, #tpu.memory_space<vmem>>)
    %dma_wait3A_338 = arith.constant 0 : i32
    %dma_wait3A_339 = arith.constant 0 : i32
    %dma_wait3A_340 = tpu.memref_slice %arg3[%dma_wait3A_338, %dma_wait3A_339] : memref<8192x1024xf32, #tpu.memory_space<hbm>> -> memref<8x1024xf32, #tpu.memory_space<hbm>>
    %dma_wait3A_341 = arith.constant 0 : i32
    %dma_wait3A_342 = arith.constant 0 : i32
    %dma_wait3A_343 = tpu.memref_slice %arg3[%dma_wait3A_341, %dma_wait3A_342] : memref<8192x1024xf32, #tpu.memory_space<hbm>> -> memref<8x1024xf32, #tpu.memory_space<hbm>>
    tpu.wait_dma2 semaphore(%arg24 : memref<!tpu.dma_semaphore, #tpu.memory_space<semaphore_mem>>) src(%dma_wait3A_343 : memref<8x1024xf32, #tpu.memory_space<hbm>>) dst(%arg8 : memref<8x1024xf32, #tpu.memory_space<vmem>>)
    %dma_wait3A_344 = arith.constant 0 : i32
    %dma_wait3A_345 = arith.constant 0 : i32
    %dma_wait3A_346 = tpu.memref_slice %arg3[%dma_wait3A_344, %dma_wait3A_345] : memref<8192x1024xf32, #tpu.memory_space<hbm>> -> memref<8x1024xf32, #tpu.memory_space<hbm>>
    %dma_wait3A_347 = arith.constant 0 : i32
    %dma_wait3A_348 = arith.constant 0 : i32
    %dma_wait3A_349 = tpu.memref_slice %arg3[%dma_wait3A_347, %dma_wait3A_348] : memref<8192x1024xf32, #tpu.memory_space<hbm>> -> memref<8x1024xf32, #tpu.memory_space<hbm>>
    tpu.wait_dma2 semaphore(%arg25 : memref<!tpu.dma_semaphore, #tpu.memory_space<semaphore_mem>>) src(%dma_wait3A_349 : memref<8x1024xf32, #tpu.memory_space<hbm>>) dst(%arg9 : memref<8x1024xf32, #tpu.memory_space<vmem>>)
    %dma_wait3A_350 = arith.constant 0 : i32
    %dma_wait3A_351 = arith.constant 0 : i32
    %dma_wait3A_352 = tpu.memref_slice %arg3[%dma_wait3A_350, %dma_wait3A_351] : memref<8192x1024xf32, #tpu.memory_space<hbm>> -> memref<8x1024xf32, #tpu.memory_space<hbm>>
    %dma_wait3A_353 = arith.constant 0 : i32
    %dma_wait3A_354 = arith.constant 0 : i32
    %dma_wait3A_355 = tpu.memref_slice %arg3[%dma_wait3A_353, %dma_wait3A_354] : memref<8192x1024xf32, #tpu.memory_space<hbm>> -> memref<8x1024xf32, #tpu.memory_space<hbm>>
    tpu.wait_dma2 semaphore(%arg26 : memref<!tpu.dma_semaphore, #tpu.memory_space<semaphore_mem>>) src(%dma_wait3A_355 : memref<8x1024xf32, #tpu.memory_space<hbm>>) dst(%arg10 : memref<8x1024xf32, #tpu.memory_space<vmem>>)
    %dma_wait3A_356 = arith.constant 0 : i32
    %dma_wait3A_357 = arith.constant 0 : i32
    %dma_wait3A_358 = tpu.memref_slice %arg3[%dma_wait3A_356, %dma_wait3A_357] : memref<8192x1024xf32, #tpu.memory_space<hbm>> -> memref<8x1024xf32, #tpu.memory_space<hbm>>
    %dma_wait3A_359 = arith.constant 0 : i32
    %dma_wait3A_360 = arith.constant 0 : i32
    %dma_wait3A_361 = tpu.memref_slice %arg3[%dma_wait3A_359, %dma_wait3A_360] : memref<8192x1024xf32, #tpu.memory_space<hbm>> -> memref<8x1024xf32, #tpu.memory_space<hbm>>
    tpu.wait_dma2 semaphore(%arg27 : memref<!tpu.dma_semaphore, #tpu.memory_space<semaphore_mem>>) src(%dma_wait3A_361 : memref<8x1024xf32, #tpu.memory_space<hbm>>) dst(%arg11 : memref<8x1024xf32, #tpu.memory_space<vmem>>)
    %dma_wait3A_362 = arith.constant 0 : i32
    %dma_wait3A_363 = arith.constant 0 : i32
    %dma_wait3A_364 = tpu.memref_slice %arg3[%dma_wait3A_362, %dma_wait3A_363] : memref<8192x1024xf32, #tpu.memory_space<hbm>> -> memref<8x1024xf32, #tpu.memory_space<hbm>>
    %dma_wait3A_365 = arith.constant 0 : i32
    %dma_wait3A_366 = arith.constant 0 : i32
    %dma_wait3A_367 = tpu.memref_slice %arg3[%dma_wait3A_365, %dma_wait3A_366] : memref<8192x1024xf32, #tpu.memory_space<hbm>> -> memref<8x1024xf32, #tpu.memory_space<hbm>>
    tpu.wait_dma2 semaphore(%arg28 : memref<!tpu.dma_semaphore, #tpu.memory_space<semaphore_mem>>) src(%dma_wait3A_367 : memref<8x1024xf32, #tpu.memory_space<hbm>>) dst(%arg12 : memref<8x1024xf32, #tpu.memory_space<vmem>>)
    %dma_wait3A_368 = arith.constant 0 : i32
    %dma_wait3A_369 = arith.constant 0 : i32
    %dma_wait3A_370 = tpu.memref_slice %arg3[%dma_wait3A_368, %dma_wait3A_369] : memref<8192x1024xf32, #tpu.memory_space<hbm>> -> memref<8x1024xf32, #tpu.memory_space<hbm>>
    %dma_wait3A_371 = arith.constant 0 : i32
    %dma_wait3A_372 = arith.constant 0 : i32
    %dma_wait3A_373 = tpu.memref_slice %arg3[%dma_wait3A_371, %dma_wait3A_372] : memref<8192x1024xf32, #tpu.memory_space<hbm>> -> memref<8x1024xf32, #tpu.memory_space<hbm>>
    tpu.wait_dma2 semaphore(%arg29 : memref<!tpu.dma_semaphore, #tpu.memory_space<semaphore_mem>>) src(%dma_wait3A_373 : memref<8x1024xf32, #tpu.memory_space<hbm>>) dst(%arg13 : memref<8x1024xf32, #tpu.memory_space<vmem>>)
    return
  }
}

</mosaic_0001>

<sc_bundles>
// kernel: kernel.3.cloned.1.call-start
scs
__scs_entry_jumppad:
0x0: {  	(pc) =	sbr.rel $0x88, $3  }
0x1: {  	(tag) =	ssettag $0x0;
	lr =	simm.s32 $0x1  }
0x2: {  	[smem:$0x3F9F] =	sst lr;
	_ =	strace $0xD0000000  }
0x3: {  	_ = 	snop  }
0x4: {  	_ = 	snop  }
0x5: {  	_ = 	snop  }
0x6: {  	_ = 	snop  }
0x7: {  	_ = 	snop  }
__scs_overlays_trampoline_lowered:
0x8: {  	[smem:$0x3FAE] =	sst s0  }
0x9: {  	[smem:$0x3FAF] =	sst s1  }
0xa: {  	[smem:$0x3FB0] =	sst s2  }
0xb: {  	[smem:$0x3FB1] =	sst s3  }
0xc: {  	[smem:$0x3FB2] =	sst s4  }
0xd: {  	[smem:$0x3FB3] =	sst s5  }
0xe: {  	[smem:$0x3FB4] =	sst s6  }
0xf: {  	[smem:$0x3FB5] =	sst s7  }
0x10: {  	[smem:$0x3FB6] =	sst s8  }
0x11: {  	[smem:$0x3FB7] =	sst s9;
	s0 =	simm.s32 @!p0 $0x0  }
0x12: {  	s1 =	sld [smem:$0x3F9D];
	s0 =	simm.s32 @p0 $0x1  }
0x13: {  	[smem:$0x3FB8] =	sst s0;
	s0 =	simm.s32 @!p1 $0x0  }
0x14: {  	s2 =	sld [smem:$0x3F9C];
	s0 =	simm.s32 @p1 $0x1  }
0x15: {  	[smem:$0x3FB9] =	sst s0;
	s0 =	simm.s32 @!p2 $0x0  }
0x16: {  	s3 =	sld [smem:$0x3FDB];
	s0 =	simm.s32 @p2 $0x1  }
0x17: {  	s4 =	simm.s32 $0x1BF5;
	[smem:$0x3FBB] =	sst s0  }
0x18: {  	s0 =	sld [smem:$0x3F9E];
	_ =	swait.ge [sflag:s4], $0x0  }
0x19: {  	s7 =	sld [smem:$0x3F9F]  }
0x1a: {  	s8 =	sadd.s32 $0xFFFFE003, lr  }
0x1b: {  	s9 =	sadd.s32 $0xFFFFFEF7, lr;
	s5 =	simm.s32 $0xFFFFFFFF;
	p2 =	slt.u32 s8, $0xFFFFF086  }
0x1c: {  	p1 =	slt.u32 s9, $0xF7A;
	s5 =	simm.s32 @!p2 $0x0  }
0x1d: {  	s5 =	simm.s32 @p1 $0x1;
	p0 =	seq.s32 s7, s2  }
0x1e: {  	s7 =	smul.u32 @!p0 $0xF7A, s2;
	p2 =	seq.s32 @!p0 s5, $0x0  }
0x1f: {  	s9 =	smul.u32 $0xF7A, s1;
	s8 =	simm.s32 @!p0 $0x1BF5;
	p2 =	por !p2, p0  }
0x20: {  	[sflag:s8] =	ssyncset.s32 @!p0 $0xFFFFF086;
	s6 =	sadd.s32 @!p0 s3, s7;
	s7 =	simm.s32 @!p0 $0x108  }
0x21: {  	s3 =	sadd.s32 s3, s9;
	s6 =	sadd.s32 @!p0 $0x88, s6;
	s7 =	simm.s32 @p2 $0x1082  }
0x22: {  	[simem:s7], [sflag:s8] =	dma.local @!p0 [hbm:s6], $0xF7A  }
0x23: {  	s9 =	sor.u32 $0xD0000000, s2;
	s6 =	simm.s32 $0x108;
	_ =	swait.ge @!p0 [sflag:s8], $0x0  }
0x24: {  	s3 =	sadd.s32 $0x88, s3;
	s6 =	simm.s32 @!p1 $0x1082;
	[sflag:s4] =	ssyncset.s32 $0xFFFFF086  }
0x25: {  	[simem:s6], [sflag:s4] =	dma.local [hbm:s3], $0xF7A  }
0x26: {  	[smem:$0x3F9F] =	sst s1;
	(tag) =	ssettag s2;
	_ =	strace s9  }
0x27: {  	s1 =	sld [smem:$0x3FAF]  }
0x28: {  	s2 =	sld [smem:$0x3FB0]  }
0x29: {  	s4 =	sld [smem:$0x3FB2]  }
0x2a: {  	p0 =	seq.s32 s5, $0x0;
	s5 =	sld [smem:$0x3FB3]  }
0x2b: {  	s6 =	sld [smem:$0x3FB4]  }
0x2c: {  	s7 =	sld [smem:$0x3FB5]  }
0x2d: {  	s3 =	simm.s32 $0x108;
	s8 =	sld [smem:$0x3FB6]  }
0x2e: {  	s3 =	simm.s32 @!p0 $0x1082;
	s9 =	sld [smem:$0x3FB7]  }
0x2f: {  	lr =	sadd.s32 s0, s3;
	s0 =	sld [smem:$0x3FAE]  }
0x30: {  	s3 =	sld [smem:$0x3FB1]  }
0x31: {  	[smem:$0x3FBA] =	sst s10  }
0x32: {  	s10 =	sld [smem:$0x3FB8];
	_ =	sdelay $0x3  }
0x33: {  	p0 =	seq.s32 s10, $0x1;
	s10 =	sld [smem:$0x3FBA];
	_ =	sdelay $0x3  }
0x34: {  	[smem:$0x3FBA] =	sst s10  }
0x35: {  	s10 =	sld [smem:$0x3FB9];
	_ =	sdelay $0x3  }
0x36: {  	p1 =	seq.s32 s10, $0x1;
	s10 =	sld [smem:$0x3FBA];
	_ =	sdelay $0x3  }
0x37: {  	[smem:$0x3FBA] =	sst s10  }
0x38: {  	s10 =	sld [smem:$0x3FBB]  }
0x39: {  	_ = 	snop;
	(pc) =	sbr.ind lr, $3  }
0x3a: {  	_ = 	snop  }
0x3b: {  	_ = 	snop  }
0x3c: {  	p2 =	seq.s32 s10, $0x1;
	s10 =	sld [smem:$0x3FBA]  }
0x3d: {  	_ =	shalt  }
0x3e: {  	_ =	shalt  }
0x3f: {  	_ =	shalt  }
0x40: {  	_ =	shalt  }
0x41: {  	_ =	shalt  }
0x42: {  	_ =	shalt  }
0x43: {  	_ =	shalt  }
0x44: {  	_ =	shalt  }
0x45: {  	_ =	shalt  }
0x46: {  	_ =	shalt  }
0x47: {  	_ =	shalt  }
0x48: {  	_ =	shalt  }
0x49: {  	_ =	shalt  }
0x4a: {  	_ =	shalt  }
0x4b: {  	_ =	shalt  }
0x4c: {  	_ =	shalt  }
0x4d: {  	_ =	shalt  }
0x4e: {  	_ =	shalt  }
0x4f: {  	_ =	shalt  }
0x50: {  	_ =	shalt  }
0x51: {  	_ =	shalt  }
0x52: {  	_ =	shalt  }
0x53: {  	_ =	shalt  }
0x54: {  	_ =	shalt  }
0x55: {  	_ =	shalt  }
0x56: {  	_ =	shalt  }
0x57: {  	_ =	shalt  }
0x58: {  	_ =	shalt  }
0x59: {  	_ =	shalt  }
0x5a: {  	_ =	shalt  }
0x5b: {  	_ =	shalt  }
0x5c: {  	_ =	shalt  }
0x5d: {  	_ =	shalt  }
0x5e: {  	_ =	shalt  }
0x5f: {  	_ =	shalt  }
0x60: {  	_ =	shalt  }
0x61: {  	_ =	shalt  }
0x62: {  	_ =	shalt  }
0x63: {  	_ =	shalt  }
0x64: {  	_ =	shalt  }
0x65: {  	_ =	shalt  }
0x66: {  	_ =	shalt  }
0x67: {  	_ =	shalt  }
0x68: {  	_ =	shalt  }
0x69: {  	_ =	shalt  }
0x6a: {  	_ =	shalt  }
0x6b: {  	_ =	shalt  }
0x6c: {  	_ =	shalt  }
0x6d: {  	_ =	shalt  }
0x6e: {  	_ =	shalt  }
0x6f: {  	_ =	shalt  }
0x70: {  	_ =	shalt  }
0x71: {  	_ =	shalt  }
0x72: {  	_ =	shalt  }
0x73: {  	_ =	shalt  }
0x74: {  	_ =	shalt  }
0x75: {  	_ =	shalt  }
0x76: {  	_ =	shalt  }
0x77: {  	_ =	shalt  }
0x78: {  	_ =	shalt  }
0x79: {  	_ =	shalt  }
0x7a: {  	_ =	shalt  }
0x7b: {  	_ =	shalt  }
0x7c: {  	_ =	shalt  }
0x7d: {  	_ =	shalt  }
0x7e: {  	_ =	shalt  }
0x7f: {  	_ =	shalt  }
0x80: {  	_ =	shalt  }
0x81: {  	_ =	shalt  }
0x82: {  	_ =	shalt  }
0x83: {  	_ =	shalt  }
0x84: {  	_ =	shalt  }
0x85: {  	_ =	shalt  }
0x86: {  	_ =	shalt  }
0x87: {  	_ =	shalt  }
.Lfunc_end0:
.L_simem_size_0:
called_computation_lowered:
.L_overlay_start_0:
0x88: {  	s2 =	sld [smem:$0x3FD9]  }
0x89: {  	s3 =	sld [smem:$0x3FFE];
	_ =	sdelay $0x1  }
0x8a: {  	s1 =	srdreg.scid  }
0x8b: {  	s0 =	sand.u32 $0x1, s1  }
0x8c: {  	s17 =	sshll.u32 s0, $0xA;
	s2 =	sadd.s32 s3, s2  }
0x8d: {  	s2 =	sadd.s32 s2, s17  }
0x8e: {  	[smem:$0x3FC6] =	sst s2  }
0x8f: {  	_ = 	snop  }
0x90: {  	s2 =	sld [smem:$0x3FC8]  }
0x91: {  	s18 =	sld [smem:$0x3FD0];
	(tm) =	ssettm $0x1  }
0x92: {  	s4 =	sld [smem:$0x3FFB];
	_ =	sdelay $0x3  }
0x93: {  	_ =	strace s4  }
0x94: {  	s4 =	sld [smem:$0x3FFC];
	_ =	sdelay $0x3  }
0x95: {  	_ =	strace s4  }
0x96: {  	s4 =	sld [smem:$0x3FFD];
	_ =	sdelay $0x3  }
0x97: {  	_ =	strace s4  }
0x98: {  	_ =	strace $0x8FFFFFFF  }
0x99: {  	s19 =	sld [smem:$0x3FDB];
	_ =	sdelay $0x1  }
0x9a: {  	s5 =	simm.s32 $_scs_section_size  }
0x9b: {  	s6 =	simm.s32 $_size__tile_overlayer_lowered;
	s7 =	simm.s32 $_tile_overlayer_lowered  }
0x9c: {  	s22 =	simm.s32 $0x1BFF;
	s21 =	sshll.u32 s7, $0x1;
	s4 =	sadd.s32 s5, s19  }
0x9d: {  	s8 =	simm.s32 $0x0;
	s20 =	sshll.u32 s6, $0x1;
	s6 =	sadd.s32 s21, s4  }
0x9e: {  	[timem:s8], [sflag:s22] =	dma.local [hbm:s6], s20  }
0x9f: {  	_ =	swait.ge [sflag:s22], s20  }
0xa0: {  	s5 =	ssub.s32 $0x0, s20;
	[sflag:s22] =	ssyncset.done $0x0  }
0xa1: {  	[sflag:s22] =	ssyncadd.s32 s5;
	_ =	sdelay $0x1  }
0xa2: {  	s23 =	simm.s32 $0x1B8B  }
0xa3: {  	_ =	swait.ge [sflag:s23], $0x1  }
0xa4: {  	[sflag:s23] =	ssyncset.done $0x0  }
0xa5: {  	s25 =	simm.s32 $0x1B8E;
	s24 =	sld [smem:$0x3FFE];
	[sflag:s23] =	ssyncadd.s32 $0xFFFFFFFF  }
0xa6: {  	s26 =	simm.s32 $execute0_lowered;
	[smem:$0x3FD2] =	sst s25  }
0xa7: {  	s6 =	sshll.u32 s26, $0x1;
	_ =	strace $0x80000046;
	[dreg:$0x1] =	wrdreg $0xFFFFFFFF  }
0xa8: {  	s28 =	simm.s32 $_size_execute0_lowered;
	s4 =	sadd.s32 s4, s6;
	[dreg:$0x0] =	wrdreg $0x0  }
0xa9: {  	s6 =	sshll.u32 s28, $0x1;
	[dreg:$0x2] =	wrdreg s4  }
0xaa: {  	[dreg:$0x3] =	wrdreg s6  }
0xab: {  	[dreg:$0x4] =	wrdreg $0xC0  }
0xac: {  	_ =	task [dreg:s8], $0x5FFFF  }
0xad: {  	[dreg:$0x1] =	wrdreg $0xFFFFFFFF  }
0xae: {  	[dreg:$0x0] =	wrdreg $0x60  }
0xaf: {  	[dreg:$0x2] =	wrdreg s24  }
0xb0: {  	[dreg:$0x3] =	wrdreg s2  }
0xb1: {  	[dreg:$0x4] =	wrdreg s18  }
0xb2: {  	[dreg:$0x5] =	wrdreg $0x9  }
0xb3: {  	_ =	task.clear_ibuf [dreg:s8], $0x6FFFF;
	_ =	strace $0x90000046  }
0xb4: {  	s29 =	simm.s32 $0x9;
	_ =	strace $0x80000048  }
0xb5: {  	_ =	swait.ge [sflag:s29], $0x1  }
0xb6: {  	[sflag:s29] =	ssyncadd.s32 $0xFFFFFFFF  }
0xb7: {  	_ =	strace $0x90000048  }
0xb8: {  	_ =	sfence  }
0xb9: {  	s30 =	sld [smem:$0x0];
	_ =	sdelay $0x2  }
0xba: {  	s31 =	sshll.u32 s1, $0xD;
	s1 =	sshrl.u32 s1, $0x2  }
0xbb: {  	s3 =	sand.u32 $0x4000, s31;
	s1 =	sadd.s32 s1, s30  }
0xbc: {  	s0 =	sor.u32 s3, s0;
	s1 =	sshll.u32 s1, $0x11  }
0xbd: {  	s0 =	sor.u32 s1, s0  }
0xbe: {  	s0 =	sadd.s32 $0x8F2B, s0  }
0xbf: {  	[sflag:s0] =	ssyncadd.remote.s32 $0x1  }
0xc0: {  	_ =	sfence.sel $0xFFFF  }
0xc1: {  	[dreg:$0x0] =	wrdreg $0xFFFFFFFF;
	(pc) =	sbr.abs _section_cstart, $3  }
0xc2: {  	[dreg:$0x1] =	wrdreg $0xFFFFFFFF  }
0xc3: {  	_ =	task.clear_ibuf [dreg:s8], $0x2FFFF;
	_ =	strace $0x9FFFFFFF  }
0xc4: {  	(tm) =	ssettm $0x7FFFFFFF  }
0xc5: {  	_ =	shalt  }
tec
execute0_lowered:
.L_overlay_start_1:
0x0: {  	(tag) =	ssettag $0x1  }
0x1: {  	s0 =	rddreg [dreg:$0x0]  }
0x2: {  	s1 =	srdreg.scid;
	s2 =	rddreg [dreg:$0x1]  }
0x3: {  	s9 =	stileid.u32;
	s4 =	rddreg [dreg:$0x2];
	s1 =	sand.u32 $0x1, s1  }
0x4: {  	s3 =	simm.s32 $0x0;
	s5 =	sshll.u32 s9, $0xB;
	s6 =	sshll.u32 s1, $0xA  }
0x5: {  	[smem:$0x7FF] =	sst s3;
	s7 =	ssub.s32 $0x2, s1;
	s5 =	sor.u32 s6, s5  }
0x6: {  	_ =	strace $0x80000047;
	s10 =	sshrl.u32 s7, $0x1;
	s11 =	sshll.u32 s5, $0x7  }
0x7: {  	s6 =	sshrl.u32 s5, $0x3;
	s7 =	ssub.s32 s7, s10;
	s10 =	sadd.s32 s4, s11  }
0x8: {  	s0 =	sadd.s32 s6, s0;
	s31 =	smax.u32 s7, $0x1;
	[dreg:$0x6] =	wrdreg s10  }
0x9: {  	s0 =	sadd.s32 $0x400, s0;
	[dreg:$0x16] =	wrdreg s31  }
0xa: {  	s12 =	sadd.s32 $0x800, s10;
	[dreg:$0x5] =	wrdreg s0  }
0xb: {  	s13 =	sadd.s32 $0xC00, s10;
	[dreg:$0x8] =	wrdreg s12  }
0xc: {  	s14 =	sadd.s32 $0x1000, s10;
	[dreg:$0x9] =	wrdreg s13  }
0xd: {  	s30 =	simm.s32 $0x2C00;
	s15 =	sadd.s32 $0x1400, s10;
	[dreg:$0xa] =	wrdreg s14  }
0xe: {  	s28 =	simm.s32 $0xF;
	s16 =	sadd.s32 $0x1800, s10;
	[dreg:$0xb] =	wrdreg s15  }
0xf: {  	s29 =	simm.s32 $0x8;
	s17 =	sadd.s32 $0x1C00, s10;
	[dreg:$0xc] =	wrdreg s16  }
0x10: {  	s8 =	sadd.s32 $0x300, s2;
	s18 =	sadd.s32 $0x1E000, s10;
	[dreg:$0xd] =	wrdreg s17  }
0x11: {  	s24 =	sshll.u32 s9, $0x12;
	s19 =	sadd.s32 $0x1E400, s10;
	[dreg:$0xe] =	wrdreg s18  }
0x12: {  	s9 =	simm.s32 $0x1400;
	s20 =	sadd.s32 $0x1E800, s10;
	[dreg:$0xf] =	wrdreg s19  }
0x13: {  	s1 =	sshll.u32 s1, $0x11;
	s21 =	sadd.s32 $0x1EC00, s10;
	[dreg:$0x10] =	wrdreg s20  }
0x14: {  	s5 =	sadd.s32 $0x100, s2;
	s22 =	sadd.s32 $0x1F000, s10;
	[dreg:$0x11] =	wrdreg s21  }
0x15: {  	s6 =	sadd.s32 $0x200, s2;
	s23 =	sadd.s32 $0x1F400, s10;
	[dreg:$0x12] =	wrdreg s22  }
0x16: {  	s11 =	simm.s32 $0x9400;
	s25 =	sadd.s32 $0x1F800, s10;
	[dreg:$0x13] =	wrdreg s23  }
0x17: {  	s26 =	sadd.s32 $0x1FC00, s10;
	s0 =	sadd.s32 $0x400, s10;
	[dreg:$0x14] =	wrdreg s25  }
0x18: {  	[dreg:$0x15] =	wrdreg s26;
	s13 =	simm.s32 $0xC00;
	s17 =	simm.s32 $0x1C00  }
0x19: {  	s21 =	simm.s32 $0x3400;
	s26 =	simm.s32 $0x3C00;
	s10 =	simm.s32 $0x6C00  }
0x1a: {  	s12 =	simm.s32 $0x8C00;
	s15 =	simm.s32 $0xAC00;
	s14 =	simm.s32 $0xB400  }
0x1b: {  	s16 =	simm.s32 $0xCC00;
	s20 =	simm.s32 $0x5;
	s22 =	simm.s32 $0xD  }
0x1c: {  	v0 =	vlaneseq.u32;
	s23 =	simm.s32 $0x6;
	[dreg:$0x7] =	wrdreg s0;
	s0 =	sadd.s32 s24, s4  }
0x1d: {  	v1 =	vshrl.u32 v0, $0x3;
	s25 =	simm.s32 $0x7;
	s24 =	simm.s32 $0xE;
	s0 =	sadd.s32 s1, s0  }
0x1e: {  	vm0 =	vmmov $0xffff;
	v0 =	vand.u32 $0x7, v0;
	v1 =	vmul.u32 $0x8, v1;
	s4 =	simm.s32 $0x0;
	s1 =	simm.s32 $0x10;
	[dreg:$0x4] =	wrdreg s0  }
.LBB2_1:
0x1f: {  	[dreg:$0x17] =	wrdreg s4  }
0x20: {  	s0 =	rddreg [dreg:$0x5];
	s18 =	simm.s32 $0x11  }
0x21: {  	[tilespmem:s3], [sflag:$0x11] =	stream.linear.gather [hbm4b:s0+s3], $0x400, $0x38;
	[tilespmem:$0x10400] =	vst v63  }
0x22: {  	_ =	swait.ge [sflag:s18], $0x400  }
0x23: {  	[sflag:s18] =	ssyncset.done $0x0  }
0x24: {  	[sflag:s18] =	ssyncadd.s32 $0xFFFFFC00  }
0x25: {  	v2 =	vld.msk [tilespmem:$0x0], $0xff;
	_ =	sdelay $0x4  }
0x26: {  	v3 =	vshll.u32 v2, $0x3  }
0x27: {  	v2 =	vand.u32 $0x7, v2;
	v3 =	vand.u32 $0xFFFFFFC0, v3  }
0x28: {  	v2 =	vor.u32 v2, v3  }
0x29: {  	v2 =	vperm.xlane v2, v0;
	_ =	sdelay $0x1  }
0x2a: {  	v2 =	vadd.s32 v1, v2;
	_ =	sdelay $0x3  }
0x2b: {  	s4 =	simm.s32 $0x400  }
0x2c: {  	[tilespmem:s4], [sflag:$0x1] =	stream.indirect_vreg.gather [hbm4b:s2+s3], $0x80, v2, vm0, $0xb8;
	[tilespmem:$0x10400] =	vst v63  }
0x2d: {  	_ = 	snop  }
0x2e: {  	[tilespmem:s13], [sflag:$0x1] =	stream.indirect_vreg.gather [hbm4b:s5+s3], $0x80, v2, vm0, $0xb8;
	[tilespmem:$0x10400] =	vst v63  }
0x2f: {  	_ = 	snop  }
0x30: {  	[tilespmem:s9], [sflag:$0x1] =	stream.indirect_vreg.gather [hbm4b:s6+s3], $0x80, v2, vm0, $0xb8;
	[tilespmem:$0x10400] =	vst v63  }
0x31: {  	_ = 	snop  }
0x32: {  	[tilespmem:s17], [sflag:$0x1] =	stream.indirect_vreg.gather [hbm4b:s8+s3], $0x80, v2, vm0, $0xb8;
	[tilespmem:$0x10400] =	vst v63  }
0x33: {  	v2 =	vld.msk [tilespmem:$0x8], $0xff;
	_ =	sdelay $0x4  }
0x34: {  	v3 =	vshll.u32 v2, $0x3  }
0x35: {  	v2 =	vand.u32 $0x7, v2;
	v3 =	vand.u32 $0xFFFFFFC0, v3  }
0x36: {  	v2 =	vor.u32 v2, v3  }
0x37: {  	v2 =	vperm.xlane v2, v0;
	_ =	sdelay $0x1  }
0x38: {  	v2 =	vadd.s32 v1, v2;
	_ =	sdelay $0x3  }
0x39: {  	s7 =	simm.s32 $0x2400  }
0x3a: {  	[tilespmem:s7], [sflag:$0x2] =	stream.indirect_vreg.gather [hbm4b:s2+s3], $0x80, v2, vm0, $0xb8;
	[tilespmem:$0x10400] =	vst v63  }
0x3b: {  	_ = 	snop  }
0x3c: {  	[tilespmem:s30], [sflag:$0x2] =	stream.indirect_vreg.gather [hbm4b:s5+s3], $0x80, v2, vm0, $0xb8;
	[tilespmem:$0x10400] =	vst v63  }
0x3d: {  	_ = 	snop  }
0x3e: {  	[tilespmem:s21], [sflag:$0x2] =	stream.indirect_vreg.gather [hbm4b:s6+s3], $0x80, v2, vm0, $0xb8;
	[tilespmem:$0x10400] =	vst v63  }
0x3f: {  	_ = 	snop  }
0x40: {  	[tilespmem:s26], [sflag:$0x2] =	stream.indirect_vreg.gather [hbm4b:s8+s3], $0x80, v2, vm0, $0xb8;
	[tilespmem:$0x10400] =	vst v63  }
0x41: {  	v2 =	vld.msk [tilespmem:$0x10], $0xff;
	_ =	sdelay $0x4  }
0x42: {  	v3 =	vshll.u32 v2, $0x3  }
0x43: {  	v2 =	vand.u32 $0x7, v2;
	v3 =	vand.u32 $0xFFFFFFC0, v3  }
0x44: {  	v2 =	vor.u32 v2, v3  }
0x45: {  	v2 =	vperm.xlane v2, v0;
	_ =	sdelay $0x1  }
0x46: {  	v2 =	vadd.s32 v1, v2;
	_ =	sdelay $0x3  }
0x47: {  	s31 =	simm.s32 $0x4400  }
0x48: {  	[tilespmem:s31], [sflag:$0x3] =	stream.indirect_vreg.gather [hbm4b:s2+s3], $0x80, v2, vm0, $0xb8;
	[tilespmem:$0x10400] =	vst v63  }
0x49: {  	s18 =	simm.s32 $0x4C00  }
0x4a: {  	[tilespmem:s18], [sflag:$0x3] =	stream.indirect_vreg.gather [hbm4b:s5+s3], $0x80, v2, vm0, $0xb8;
	[tilespmem:$0x10400] =	vst v63  }
0x4b: {  	s19 =	simm.s32 $0x5400  }
0x4c: {  	[tilespmem:s19], [sflag:$0x3] =	stream.indirect_vreg.gather [hbm4b:s6+s3], $0x80, v2, vm0, $0xb8;
	[tilespmem:$0x10400] =	vst v63  }
0x4d: {  	s19 =	simm.s32 $0x5C00  }
0x4e: {  	[tilespmem:s19], [sflag:$0x3] =	stream.indirect_vreg.gather [hbm4b:s8+s3], $0x80, v2, vm0, $0xb8;
	[tilespmem:$0x10400] =	vst v63  }
0x4f: {  	v2 =	vld.msk [tilespmem:$0x18], $0xff;
	_ =	sdelay $0x4  }
0x50: {  	v3 =	vshll.u32 v2, $0x3  }
0x51: {  	v2 =	vand.u32 $0x7, v2;
	v3 =	vand.u32 $0xFFFFFFC0, v3  }
0x52: {  	v2 =	vor.u32 v2, v3  }
0x53: {  	v2 =	vperm.xlane v2, v0;
	_ =	sdelay $0x1  }
0x54: {  	v2 =	vadd.s32 v1, v2;
	_ =	sdelay $0x3  }
0x55: {  	s19 =	simm.s32 $0x6400  }
0x56: {  	[tilespmem:s19], [sflag:$0x4] =	stream.indirect_vreg.gather [hbm4b:s2+s3], $0x80, v2, vm0, $0xb8;
	[tilespmem:$0x10400] =	vst v63  }
0x57: {  	_ = 	snop  }
0x58: {  	[tilespmem:s10], [sflag:$0x4] =	stream.indirect_vreg.gather [hbm4b:s5+s3], $0x80, v2, vm0, $0xb8;
	[tilespmem:$0x10400] =	vst v63  }
0x59: {  	s0 =	simm.s32 $0x7400  }
0x5a: {  	[tilespmem:s0], [sflag:$0x4] =	stream.indirect_vreg.gather [hbm4b:s6+s3], $0x80, v2, vm0, $0xb8;
	[tilespmem:$0x10400] =	vst v63  }
0x5b: {  	s0 =	simm.s32 $0x7C00  }
0x5c: {  	[tilespmem:s0], [sflag:$0x4] =	stream.indirect_vreg.gather [hbm4b:s8+s3], $0x80, v2, vm0, $0xb8;
	[tilespmem:$0x10400] =	vst v63  }
0x5d: {  	v2 =	vld.msk [tilespmem:$0x20], $0xff;
	_ =	sdelay $0x4  }
0x5e: {  	v3 =	vshll.u32 v2, $0x3  }
0x5f: {  	v2 =	vand.u32 $0x7, v2;
	v3 =	vand.u32 $0xFFFFFFC0, v3  }
0x60: {  	v2 =	vor.u32 v2, v3  }
0x61: {  	v2 =	vperm.xlane v2, v0;
	_ =	sdelay $0x1  }
0x62: {  	v2 =	vadd.s32 v1, v2;
	_ =	sdelay $0x3  }
0x63: {  	s0 =	simm.s32 $0x8400  }
0x64: {  	[tilespmem:s0], [sflag:$0x5] =	stream.indirect_vreg.gather [hbm4b:s2+s3], $0x80, v2, vm0, $0xb8;
	[tilespmem:$0x10400] =	vst v63  }
0x65: {  	_ = 	snop  }
0x66: {  	[tilespmem:s12], [sflag:$0x5] =	stream.indirect_vreg.gather [hbm4b:s5+s3], $0x80, v2, vm0, $0xb8;
	[tilespmem:$0x10400] =	vst v63  }
0x67: {  	_ = 	snop  }
0x68: {  	[tilespmem:s11], [sflag:$0x5] =	stream.indirect_vreg.gather [hbm4b:s6+s3], $0x80, v2, vm0, $0xb8;
	[tilespmem:$0x10400] =	vst v63  }
0x69: {  	s0 =	simm.s32 $0x9C00  }
0x6a: {  	[tilespmem:s0], [sflag:$0x5] =	stream.indirect_vreg.gather [hbm4b:s8+s3], $0x80, v2, vm0, $0xb8;
	[tilespmem:$0x10400] =	vst v63  }
0x6b: {  	v2 =	vld.msk [tilespmem:$0x28], $0xff;
	_ =	sdelay $0x4  }
0x6c: {  	v3 =	vshll.u32 v2, $0x3  }
0x6d: {  	v2 =	vand.u32 $0x7, v2;
	v3 =	vand.u32 $0xFFFFFFC0, v3  }
0x6e: {  	v2 =	vor.u32 v2, v3  }
0x6f: {  	v2 =	vperm.xlane v2, v0;
	_ =	sdelay $0x1  }
0x70: {  	v2 =	vadd.s32 v1, v2;
	_ =	sdelay $0x3  }
0x71: {  	s0 =	simm.s32 $0xA400  }
0x72: {  	[tilespmem:s0], [sflag:$0x6] =	stream.indirect_vreg.gather [hbm4b:s2+s3], $0x80, v2, vm0, $0xb8;
	[tilespmem:$0x10400] =	vst v63  }
0x73: {  	_ = 	snop  }
0x74: {  	[tilespmem:s15], [sflag:$0x6] =	stream.indirect_vreg.gather [hbm4b:s5+s3], $0x80, v2, vm0, $0xb8;
	[tilespmem:$0x10400] =	vst v63  }
0x75: {  	_ = 	snop  }
0x76: {  	[tilespmem:s14], [sflag:$0x6] =	stream.indirect_vreg.gather [hbm4b:s6+s3], $0x80, v2, vm0, $0xb8;
	[tilespmem:$0x10400] =	vst v63  }
0x77: {  	s0 =	simm.s32 $0xBC00  }
0x78: {  	[tilespmem:s0], [sflag:$0x6] =	stream.indirect_vreg.gather [hbm4b:s8+s3], $0x80, v2, vm0, $0xb8;
	[tilespmem:$0x10400] =	vst v63  }
0x79: {  	v2 =	vld.msk [tilespmem:$0x30], $0xff;
	_ =	sdelay $0x4  }
0x7a: {  	v3 =	vshll.u32 v2, $0x3  }
0x7b: {  	v2 =	vand.u32 $0x7, v2;
	v3 =	vand.u32 $0xFFFFFFC0, v3  }
0x7c: {  	v2 =	vor.u32 v2, v3  }
0x7d: {  	v2 =	vperm.xlane v2, v0;
	_ =	sdelay $0x1  }
0x7e: {  	v2 =	vadd.s32 v1, v2;
	_ =	sdelay $0x3  }
0x7f: {  	s0 =	simm.s32 $0xC400  }
0x80: {  	[tilespmem:s0], [sflag:$0x7] =	stream.indirect_vreg.gather [hbm4b:s2+s3], $0x80, v2, vm0, $0xb8;
	[tilespmem:$0x10400] =	vst v63  }
0x81: {  	_ = 	snop  }
0x82: {  	[tilespmem:s16], [sflag:$0x7] =	stream.indirect_vreg.gather [hbm4b:s5+s3], $0x80, v2, vm0, $0xb8;
	[tilespmem:$0x10400] =	vst v63  }
0x83: {  	s0 =	simm.s32 $0xD400  }
0x84: {  	[tilespmem:s0], [sflag:$0x7] =	stream.indirect_vreg.gather [hbm4b:s6+s3], $0x80, v2, vm0, $0xb8;
	[tilespmem:$0x10400] =	vst v63  }
0x85: {  	s0 =	simm.s32 $0xDC00  }
0x86: {  	[tilespmem:s0], [sflag:$0x7] =	stream.indirect_vreg.gather [hbm4b:s8+s3], $0x80, v2, vm0, $0xb8;
	[tilespmem:$0x10400] =	vst v63  }
0x87: {  	v2 =	vld.msk [tilespmem:$0x38], $0xff;
	_ =	sdelay $0x4  }
0x88: {  	v3 =	vshll.u32 v2, $0x3  }
0x89: {  	v2 =	vand.u32 $0x7, v2;
	v3 =	vand.u32 $0xFFFFFFC0, v3  }
0x8a: {  	v2 =	vor.u32 v2, v3  }
0x8b: {  	v2 =	vperm.xlane v2, v0;
	_ =	sdelay $0x1  }
0x8c: {  	v2 =	vadd.s32 v1, v2;
	_ =	sdelay $0x3  }
0x8d: {  	s0 =	simm.s32 $0xE400  }
0x8e: {  	[tilespmem:s0], [sflag:$0x8] =	stream.indirect_vreg.gather [hbm4b:s2+s3], $0x80, v2, vm0, $0xb8;
	[tilespmem:$0x10400] =	vst v63  }
0x8f: {  	s0 =	simm.s32 $0xEC00  }
0x90: {  	[tilespmem:s0], [sflag:$0x8] =	stream.indirect_vreg.gather [hbm4b:s5+s3], $0x80, v2, vm0, $0xb8;
	[tilespmem:$0x10400] =	vst v63  }
0x91: {  	s0 =	simm.s32 $0xF400  }
0x92: {  	[tilespmem:s0], [sflag:$0x8] =	stream.indirect_vreg.gather [hbm4b:s6+s3], $0x80, v2, vm0, $0xb8;
	[tilespmem:$0x10400] =	vst v63  }
0x93: {  	s0 =	simm.s32 $0xFC00  }
0x94: {  	[tilespmem:s0], [sflag:$0x8] =	stream.indirect_vreg.gather [hbm4b:s8+s3], $0x80, v2, vm0, $0xb8;
	[tilespmem:$0x10400] =	vst v63  }
0x95: {  	s0 =	simm.s32 $0x1  }
0x96: {  	_ =	swait.ge [sflag:s0], $0x2000  }
0x97: {  	[sflag:s0] =	ssyncset.done $0x0  }
0x98: {  	[sflag:s0] =	ssyncadd.s32 $0xFFFFE000;
	s0 =	rddreg [dreg:$0x6]  }
0x99: {  	[hbm4b:s0+s3] =	stream.linear.scatter [tilespmem:s4], [sflag:$0x9], $0x2000, $0x38;
	[tilespmem:$0x10400] =	vst v63  }
0x9a: {  	s0 =	simm.s32 $0x9  }
0x9b: {  	_ =	swait.ge [sflag:s0], $0x2000  }
0x9c: {  	[sflag:s0] =	ssyncset.done $0x0  }
0x9d: {  	[sflag:s0] =	ssyncadd.s32 $0xFFFFE000  }
0x9e: {  	v2 =	vld.msk [tilespmem:$0x40], $0xff;
	_ =	sdelay $0x4  }
0x9f: {  	v3 =	vshll.u32 v2, $0x3  }
0xa0: {  	v2 =	vand.u32 $0x7, v2;
	v3 =	vand.u32 $0xFFFFFFC0, v3  }
0xa1: {  	v2 =	vor.u32 v2, v3  }
0xa2: {  	v2 =	vperm.xlane v2, v0;
	_ =	sdelay $0x1  }
0xa3: {  	v2 =	vadd.s32 v1, v2;
	_ =	sdelay $0x4  }
0xa4: {  	[tilespmem:s4], [sflag:$0x1] =	stream.indirect_vreg.gather [hbm4b:s2+s3], $0x80, v2, vm0, $0xb8;
	[tilespmem:$0x10400] =	vst v63  }
0xa5: {  	_ = 	snop  }
0xa6: {  	[tilespmem:s13], [sflag:$0x1] =	stream.indirect_vreg.gather [hbm4b:s5+s3], $0x80, v2, vm0, $0xb8;
	[tilespmem:$0x10400] =	vst v63  }
0xa7: {  	_ = 	snop  }
0xa8: {  	[tilespmem:s9], [sflag:$0x1] =	stream.indirect_vreg.gather [hbm4b:s6+s3], $0x80, v2, vm0, $0xb8;
	[tilespmem:$0x10400] =	vst v63  }
0xa9: {  	s13 =	simm.s32 $0x2  }
0xaa: {  	[tilespmem:s17], [sflag:$0x1] =	stream.indirect_vreg.gather [hbm4b:s8+s3], $0x80, v2, vm0, $0xb8;
	[tilespmem:$0x10400] =	vst v63  }
0xab: {  	_ =	swait.ge [sflag:s13], $0x2000  }
0xac: {  	[sflag:s13] =	ssyncset.done $0x0  }
0xad: {  	s4 =	simm.s32 $0xA;
	s17 =	rddreg [dreg:$0x7];
	[sflag:s13] =	ssyncadd.s32 $0xFFFFE000  }
0xae: {  	[hbm4b:s17+s3] =	stream.linear.scatter [tilespmem:s7], [sflag:$0xA], $0x2000, $0x38;
	[tilespmem:$0x10400] =	vst v63  }
0xaf: {  	_ =	swait.ge [sflag:s4], $0x2000  }
0xb0: {  	[sflag:s4] =	ssyncset.done $0x0  }
0xb1: {  	[sflag:s4] =	ssyncadd.s32 $0xFFFFE000  }
0xb2: {  	v2 =	vld.msk [tilespmem:$0x48], $0xff;
	_ =	sdelay $0x4  }
0xb3: {  	v3 =	vshll.u32 v2, $0x3  }
0xb4: {  	v2 =	vand.u32 $0x7, v2;
	v3 =	vand.u32 $0xFFFFFFC0, v3  }
0xb5: {  	v2 =	vor.u32 v2, v3  }
0xb6: {  	v2 =	vperm.xlane v2, v0;
	_ =	sdelay $0x1  }
0xb7: {  	v2 =	vadd.s32 v1, v2;
	_ =	sdelay $0x4  }
0xb8: {  	[tilespmem:s7], [sflag:$0x2] =	stream.indirect_vreg.gather [hbm4b:s2+s3], $0x80, v2, vm0, $0xb8;
	[tilespmem:$0x10400] =	vst v63  }
0xb9: {  	_ = 	snop  }
0xba: {  	[tilespmem:s30], [sflag:$0x2] =	stream.indirect_vreg.gather [hbm4b:s5+s3], $0x80, v2, vm0, $0xb8;
	[tilespmem:$0x10400] =	vst v63  }
0xbb: {  	_ = 	snop  }
0xbc: {  	[tilespmem:s21], [sflag:$0x2] =	stream.indirect_vreg.gather [hbm4b:s6+s3], $0x80, v2, vm0, $0xb8;
	[tilespmem:$0x10400] =	vst v63  }
0xbd: {  	s9 =	simm.s32 $0x3  }
0xbe: {  	[tilespmem:s26], [sflag:$0x2] =	stream.indirect_vreg.gather [hbm4b:s8+s3], $0x80, v2, vm0, $0xb8;
	[tilespmem:$0x10400] =	vst v63  }
0xbf: {  	_ =	swait.ge [sflag:s9], $0x2000  }
0xc0: {  	[sflag:s9] =	ssyncset.done $0x0  }
0xc1: {  	s17 =	simm.s32 $0xB;
	s13 =	rddreg [dreg:$0x8];
	[sflag:s9] =	ssyncadd.s32 $0xFFFFE000  }
0xc2: {  	[hbm4b:s13+s3] =	stream.linear.scatter [tilespmem:s31], [sflag:$0xB], $0x2000, $0x38;
	[tilespmem:$0x10400] =	vst v63  }
0xc3: {  	_ =	swait.ge [sflag:s17], $0x2000  }
0xc4: {  	[sflag:s17] =	ssyncset.done $0x0  }
0xc5: {  	[sflag:s17] =	ssyncadd.s32 $0xFFFFE000  }
0xc6: {  	v2 =	vld.msk [tilespmem:$0x50], $0xff;
	_ =	sdelay $0x4  }
0xc7: {  	v3 =	vshll.u32 v2, $0x3  }
0xc8: {  	v2 =	vand.u32 $0x7, v2;
	v3 =	vand.u32 $0xFFFFFFC0, v3  }
0xc9: {  	v2 =	vor.u32 v2, v3  }
0xca: {  	v2 =	vperm.xlane v2, v0;
	_ =	sdelay $0x1  }
0xcb: {  	v2 =	vadd.s32 v1, v2;
	_ =	sdelay $0x4  }
0xcc: {  	[tilespmem:s31], [sflag:$0x3] =	stream.indirect_vreg.gather [hbm4b:s2+s3], $0x80, v2, vm0, $0xb8;
	[tilespmem:$0x10400] =	vst v63  }
0xcd: {  	_ = 	snop  }
0xce: {  	[tilespmem:s18], [sflag:$0x3] =	stream.indirect_vreg.gather [hbm4b:s5+s3], $0x80, v2, vm0, $0xb8;
	[tilespmem:$0x10400] =	vst v63  }
0xcf: {  	s18 =	simm.s32 $0x5400  }
0xd0: {  	[tilespmem:s18], [sflag:$0x3] =	stream.indirect_vreg.gather [hbm4b:s6+s3], $0x80, v2, vm0, $0xb8;
	[tilespmem:$0x10400] =	vst v63  }
0xd1: {  	s21 =	simm.s32 $0x5C00;
	s26 =	simm.s32 $0x4  }
0xd2: {  	[tilespmem:s21], [sflag:$0x3] =	stream.indirect_vreg.gather [hbm4b:s8+s3], $0x80, v2, vm0, $0xb8;
	[tilespmem:$0x10400] =	vst v63  }
0xd3: {  	_ =	swait.ge [sflag:s26], $0x2000  }
0xd4: {  	s19 =	simm.s32 $0x6400;
	[sflag:s26] =	ssyncset.done $0x0  }
0xd5: {  	s31 =	simm.s32 $0xC;
	s30 =	rddreg [dreg:$0x9];
	[sflag:s26] =	ssyncadd.s32 $0xFFFFE000  }
0xd6: {  	[hbm4b:s30+s3] =	stream.linear.scatter [tilespmem:s19], [sflag:$0xC], $0x2000, $0x38;
	[tilespmem:$0x10400] =	vst v63  }
0xd7: {  	_ =	swait.ge [sflag:s31], $0x2000  }
0xd8: {  	[sflag:s31] =	ssyncset.done $0x0  }
0xd9: {  	[sflag:s31] =	ssyncadd.s32 $0xFFFFE000  }
0xda: {  	v2 =	vld.msk [tilespmem:$0x58], $0xff;
	_ =	sdelay $0x4  }
0xdb: {  	v3 =	vshll.u32 v2, $0x3  }
0xdc: {  	v2 =	vand.u32 $0x7, v2;
	v3 =	vand.u32 $0xFFFFFFC0, v3  }
0xdd: {  	v2 =	vor.u32 v2, v3  }
0xde: {  	v2 =	vperm.xlane v2, v0;
	_ =	sdelay $0x1  }
0xdf: {  	v2 =	vadd.s32 v1, v2;
	_ =	sdelay $0x4  }
0xe0: {  	[tilespmem:s19], [sflag:$0x4] =	stream.indirect_vreg.gather [hbm4b:s2+s3], $0x80, v2, vm0, $0xb8;
	[tilespmem:$0x10400] =	vst v63  }
0xe1: {  	_ = 	snop  }
0xe2: {  	[tilespmem:s10], [sflag:$0x4] =	stream.indirect_vreg.gather [hbm4b:s5+s3], $0x80, v2, vm0, $0xb8;
	[tilespmem:$0x10400] =	vst v63  }
0xe3: {  	s4 =	simm.s32 $0x7400  }
0xe4: {  	[tilespmem:s4], [sflag:$0x4] =	stream.indirect_vreg.gather [hbm4b:s6+s3], $0x80, v2, vm0, $0xb8;
	[tilespmem:$0x10400] =	vst v63  }
0xe5: {  	s7 =	simm.s32 $0x7C00  }
0xe6: {  	[tilespmem:s7], [sflag:$0x4] =	stream.indirect_vreg.gather [hbm4b:s8+s3], $0x80, v2, vm0, $0xb8;
	[tilespmem:$0x10400] =	vst v63  }
0xe7: {  	_ =	swait.ge [sflag:s20], $0x2000  }
0xe8: {  	[sflag:s20] =	ssyncset.done $0x0  }
0xe9: {  	s10 =	simm.s32 $0x8400;
	s9 =	rddreg [dreg:$0xa];
	[sflag:s20] =	ssyncadd.s32 $0xFFFFE000  }
0xea: {  	[hbm4b:s9+s3] =	stream.linear.scatter [tilespmem:s10], [sflag:$0xD], $0x2000, $0x38;
	[tilespmem:$0x10400] =	vst v63  }
0xeb: {  	_ =	swait.ge [sflag:s22], $0x2000  }
0xec: {  	[sflag:s22] =	ssyncset.done $0x0  }
0xed: {  	[sflag:s22] =	ssyncadd.s32 $0xFFFFE000  }
0xee: {  	v2 =	vld.msk [tilespmem:$0x60], $0xff;
	_ =	sdelay $0x4  }
0xef: {  	v3 =	vshll.u32 v2, $0x3  }
0xf0: {  	v2 =	vand.u32 $0x7, v2;
	v3 =	vand.u32 $0xFFFFFFC0, v3  }
0xf1: {  	v2 =	vor.u32 v2, v3  }
0xf2: {  	v2 =	vperm.xlane v2, v0;
	_ =	sdelay $0x1  }
0xf3: {  	v2 =	vadd.s32 v1, v2;
	_ =	sdelay $0x4  }
0xf4: {  	[tilespmem:s10], [sflag:$0x5] =	stream.indirect_vreg.gather [hbm4b:s2+s3], $0x80, v2, vm0, $0xb8;
	[tilespmem:$0x10400] =	vst v63  }
0xf5: {  	_ = 	snop  }
0xf6: {  	[tilespmem:s12], [sflag:$0x5] =	stream.indirect_vreg.gather [hbm4b:s5+s3], $0x80, v2, vm0, $0xb8;
	[tilespmem:$0x10400] =	vst v63  }
0xf7: {  	_ = 	snop  }
0xf8: {  	[tilespmem:s11], [sflag:$0x5] =	stream.indirect_vreg.gather [hbm4b:s6+s3], $0x80, v2, vm0, $0xb8;
	[tilespmem:$0x10400] =	vst v63  }
0xf9: {  	s11 =	simm.s32 $0x9C00  }
0xfa: {  	[tilespmem:s11], [sflag:$0x5] =	stream.indirect_vreg.gather [hbm4b:s8+s3], $0x80, v2, vm0, $0xb8;
	[tilespmem:$0x10400] =	vst v63  }
0xfb: {  	_ =	swait.ge [sflag:s23], $0x2000  }
0xfc: {  	[sflag:s23] =	ssyncset.done $0x0  }
0xfd: {  	s13 =	simm.s32 $0xA400;
	s12 =	rddreg [dreg:$0xb];
	[sflag:s23] =	ssyncadd.s32 $0xFFFFE000  }
0xfe: {  	[hbm4b:s12+s3] =	stream.linear.scatter [tilespmem:s13], [sflag:$0xE], $0x2000, $0x38;
	[tilespmem:$0x10400] =	vst v63  }
0xff: {  	_ =	swait.ge [sflag:s24], $0x2000  }
0x100: {  	[sflag:s24] =	ssyncset.done $0x0  }
0x101: {  	[sflag:s24] =	ssyncadd.s32 $0xFFFFE000  }
0x102: {  	v2 =	vld.msk [tilespmem:$0x68], $0xff;
	_ =	sdelay $0x4  }
0x103: {  	v3 =	vshll.u32 v2, $0x3  }
0x104: {  	v2 =	vand.u32 $0x7, v2;
	v3 =	vand.u32 $0xFFFFFFC0, v3  }
0x105: {  	v2 =	vor.u32 v2, v3  }
0x106: {  	v2 =	vperm.xlane v2, v0;
	_ =	sdelay $0x1  }
0x107: {  	v2 =	vadd.s32 v1, v2;
	_ =	sdelay $0x4  }
0x108: {  	[tilespmem:s13], [sflag:$0x6] =	stream.indirect_vreg.gather [hbm4b:s2+s3], $0x80, v2, vm0, $0xb8;
	[tilespmem:$0x10400] =	vst v63  }
0x109: {  	_ = 	snop  }
0x10a: {  	[tilespmem:s15], [sflag:$0x6] =	stream.indirect_vreg.gather [hbm4b:s5+s3], $0x80, v2, vm0, $0xb8;
	[tilespmem:$0x10400] =	vst v63  }
0x10b: {  	_ = 	snop  }
0x10c: {  	[tilespmem:s14], [sflag:$0x6] =	stream.indirect_vreg.gather [hbm4b:s6+s3], $0x80, v2, vm0, $0xb8;
	[tilespmem:$0x10400] =	vst v63  }
0x10d: {  	s17 =	simm.s32 $0xBC00  }
0x10e: {  	[tilespmem:s17], [sflag:$0x6] =	stream.indirect_vreg.gather [hbm4b:s8+s3], $0x80, v2, vm0, $0xb8;
	[tilespmem:$0x10400] =	vst v63  }
0x10f: {  	_ =	swait.ge [sflag:s25], $0x2000  }
0x110: {  	[sflag:s25] =	ssyncset.done $0x0  }
0x111: {  	s19 =	simm.s32 $0xC400;
	s18 =	rddreg [dreg:$0xc];
	[sflag:s25] =	ssyncadd.s32 $0xFFFFE000  }
0x112: {  	[hbm4b:s18+s3] =	stream.linear.scatter [tilespmem:s19], [sflag:$0xF], $0x2000, $0x38;
	[tilespmem:$0x10400] =	vst v63  }
0x113: {  	_ =	swait.ge [sflag:s28], $0x2000  }
0x114: {  	[sflag:s28] =	ssyncset.done $0x0  }
0x115: {  	[sflag:s28] =	ssyncadd.s32 $0xFFFFE000  }
0x116: {  	v2 =	vld.msk [tilespmem:$0x70], $0xff;
	_ =	sdelay $0x4  }
0x117: {  	v3 =	vshll.u32 v2, $0x3  }
0x118: {  	v2 =	vand.u32 $0x7, v2;
	v3 =	vand.u32 $0xFFFFFFC0, v3  }
0x119: {  	v2 =	vor.u32 v2, v3  }
0x11a: {  	v2 =	vperm.xlane v2, v0;
	_ =	sdelay $0x1  }
0x11b: {  	v2 =	vadd.s32 v1, v2;
	_ =	sdelay $0x4  }
0x11c: {  	[tilespmem:s19], [sflag:$0x7] =	stream.indirect_vreg.gather [hbm4b:s2+s3], $0x80, v2, vm0, $0xb8;
	[tilespmem:$0x10400] =	vst v63  }
0x11d: {  	_ = 	snop  }
0x11e: {  	[tilespmem:s16], [sflag:$0x7] =	stream.indirect_vreg.gather [hbm4b:s5+s3], $0x80, v2, vm0, $0xb8;
	[tilespmem:$0x10400] =	vst v63  }
0x11f: {  	s21 =	simm.s32 $0xD400  }
0x120: {  	[tilespmem:s21], [sflag:$0x7] =	stream.indirect_vreg.gather [hbm4b:s6+s3], $0x80, v2, vm0, $0xb8;
	[tilespmem:$0x10400] =	vst v63  }
0x121: {  	s26 =	simm.s32 $0xDC00  }
0x122: {  	[tilespmem:s26], [sflag:$0x7] =	stream.indirect_vreg.gather [hbm4b:s8+s3], $0x80, v2, vm0, $0xb8;
	[tilespmem:$0x10400] =	vst v63  }
0x123: {  	_ =	swait.ge [sflag:s29], $0x2000  }
0x124: {  	s0 =	simm.s32 $0xB0;
	s31 =	simm.s32 $0xE400;
	[sflag:s29] =	ssyncset.done $0x0  }
0x125: {  	s4 =	simm.s32 $0x0;
	s30 =	rddreg [dreg:$0xd];
	[sflag:s29] =	ssyncadd.s32 $0xFFFFE000  }
0x126: {  	[hbm4b:s30+s3] =	stream.linear.scatter [tilespmem:s31], [sflag:$0x10], $0x2000, $0x38;
	[tilespmem:$0x10400] =	vst v63  }
.LBB2_2:
0x127: {  	_ =	swait.ge [sflag:s1], $0x2000  }
0x128: {  	[sflag:s1] =	ssyncset.done $0x0  }
0x129: {  	[sflag:s1] =	ssyncadd.s32 $0xFFFFE000  }
0x12a: {  	v2 =	vld.msk [tilespmem:s0+$0xFFFFFFC8], $0xff;
	_ =	sdelay $0x4  }
0x12b: {  	v3 =	vshll.u32 v2, $0x3  }
0x12c: {  	v2 =	vand.u32 $0x7, v2;
	v3 =	vand.u32 $0xFFFFFFC0, v3  }
0x12d: {  	v2 =	vor.u32 v2, v3  }
0x12e: {  	v2 =	vperm.xlane v2, v0;
	_ =	sdelay $0x1  }
0x12f: {  	v2 =	vadd.s32 v1, v2;
	_ =	sdelay $0x3  }
0x130: {  	s18 =	simm.s32 $0xE400  }
0x131: {  	[tilespmem:s18], [sflag:$0x8] =	stream.indirect_vreg.gather [hbm4b:s2+s3], $0x80, v2, vm0, $0xb8;
	[tilespmem:$0x10400] =	vst v63  }
0x132: {  	s7 =	simm.s32 $0xEC00  }
0x133: {  	[tilespmem:s7], [sflag:$0x8] =	stream.indirect_vreg.gather [hbm4b:s5+s3], $0x80, v2, vm0, $0xb8;
	[tilespmem:$0x10400] =	vst v63  }
0x134: {  	s14 =	simm.s32 $0xF400  }
0x135: {  	[tilespmem:s14], [sflag:$0x8] =	stream.indirect_vreg.gather [hbm4b:s6+s3], $0x80, v2, vm0, $0xb8;
	[tilespmem:$0x10400] =	vst v63  }
0x136: {  	s15 =	simm.s32 $0xFC00;
	s16 =	simm.s32 $0x1  }
0x137: {  	[tilespmem:s15], [sflag:$0x8] =	stream.indirect_vreg.gather [hbm4b:s8+s3], $0x80, v2, vm0, $0xb8;
	[tilespmem:$0x10400] =	vst v63  }
0x138: {  	_ =	swait.ge [sflag:s16], $0x2000  }
0x139: {  	s26 =	rddreg [dreg:$0x4]  }
0x13a: {  	s13 =	simm.s32 $0x400;
	[sflag:s16] =	ssyncset.done $0x0;
	s26 =	sadd.s32 s4, s26  }
0x13b: {  	s17 =	simm.s32 $0x9;
	[sflag:s16] =	ssyncadd.s32 $0xFFFFE000;
	s31 =	sadd.s32 $0x2000, s26  }
0x13c: {  	[hbm4b:s31+s3] =	stream.linear.scatter [tilespmem:s13], [sflag:$0x9], $0x2000, $0x38;
	[tilespmem:$0x10400] =	vst v63  }
0x13d: {  	_ =	swait.ge [sflag:s17], $0x2000  }
0x13e: {  	[sflag:s17] =	ssyncset.done $0x0  }
0x13f: {  	[sflag:s17] =	ssyncadd.s32 $0xFFFFE000  }
0x140: {  	v2 =	vld.msk [tilespmem:s0+$0xFFFFFFD0], $0xff;
	_ =	sdelay $0x4  }
0x141: {  	v3 =	vshll.u32 v2, $0x3  }
0x142: {  	v2 =	vand.u32 $0x7, v2;
	v3 =	vand.u32 $0xFFFFFFC0, v3  }
0x143: {  	v2 =	vor.u32 v2, v3  }
0x144: {  	v2 =	vperm.xlane v2, v0;
	_ =	sdelay $0x1  }
0x145: {  	v2 =	vadd.s32 v1, v2;
	_ =	sdelay $0x4  }
0x146: {  	[tilespmem:s13], [sflag:$0x1] =	stream.indirect_vreg.gather [hbm4b:s2+s3], $0x80, v2, vm0, $0xb8;
	[tilespmem:$0x10400] =	vst v63  }
0x147: {  	s13 =	simm.s32 $0xC00  }
0x148: {  	[tilespmem:s13], [sflag:$0x1] =	stream.indirect_vreg.gather [hbm4b:s5+s3], $0x80, v2, vm0, $0xb8;
	[tilespmem:$0x10400] =	vst v63  }
0x149: {  	s19 =	simm.s32 $0x1400  }
0x14a: {  	[tilespmem:s19], [sflag:$0x1] =	stream.indirect_vreg.gather [hbm4b:s6+s3], $0x80, v2, vm0, $0xb8;
	[tilespmem:$0x10400] =	vst v63  }
0x14b: {  	s21 =	simm.s32 $0x1C00;
	s10 =	simm.s32 $0x2  }
0x14c: {  	[tilespmem:s21], [sflag:$0x1] =	stream.indirect_vreg.gather [hbm4b:s8+s3], $0x80, v2, vm0, $0xb8;
	[tilespmem:$0x10400] =	vst v63  }
0x14d: {  	_ =	swait.ge [sflag:s10], $0x2000  }
0x14e: {  	s30 =	simm.s32 $0x2400;
	[sflag:s10] =	ssyncset.done $0x0  }
0x14f: {  	s11 =	simm.s32 $0xA;
	s31 =	sadd.s32 $0x2400, s26;
	[sflag:s10] =	ssyncadd.s32 $0xFFFFE000  }
0x150: {  	[hbm4b:s31+s3] =	stream.linear.scatter [tilespmem:s30], [sflag:$0xA], $0x2000, $0x38;
	[tilespmem:$0x10400] =	vst v63  }
0x151: {  	_ =	swait.ge [sflag:s11], $0x2000  }
0x152: {  	[sflag:s11] =	ssyncset.done $0x0  }
0x153: {  	[sflag:s11] =	ssyncadd.s32 $0xFFFFE000  }
0x154: {  	v2 =	vld.msk [tilespmem:s0+$0xFFFFFFD8], $0xff;
	_ =	sdelay $0x4  }
0x155: {  	v3 =	vshll.u32 v2, $0x3  }
0x156: {  	v2 =	vand.u32 $0x7, v2;
	v3 =	vand.u32 $0xFFFFFFC0, v3  }
0x157: {  	v2 =	vor.u32 v2, v3  }
0x158: {  	v2 =	vperm.xlane v2, v0;
	_ =	sdelay $0x1  }
0x159: {  	v2 =	vadd.s32 v1, v2;
	_ =	sdelay $0x4  }
0x15a: {  	[tilespmem:s30], [sflag:$0x2] =	stream.indirect_vreg.gather [hbm4b:s2+s3], $0x80, v2, vm0, $0xb8;
	[tilespmem:$0x10400] =	vst v63  }
0x15b: {  	s30 =	simm.s32 $0x2C00  }
0x15c: {  	[tilespmem:s30], [sflag:$0x2] =	stream.indirect_vreg.gather [hbm4b:s5+s3], $0x80, v2, vm0, $0xb8;
	[tilespmem:$0x10400] =	vst v63  }
0x15d: {  	s10 =	simm.s32 $0x3400  }
0x15e: {  	[tilespmem:s10], [sflag:$0x2] =	stream.indirect_vreg.gather [hbm4b:s6+s3], $0x80, v2, vm0, $0xb8;
	[tilespmem:$0x10400] =	vst v63  }
0x15f: {  	s12 =	simm.s32 $0x3C00;
	s14 =	simm.s32 $0x3  }
0x160: {  	[tilespmem:s12], [sflag:$0x2] =	stream.indirect_vreg.gather [hbm4b:s8+s3], $0x80, v2, vm0, $0xb8;
	[tilespmem:$0x10400] =	vst v63  }
0x161: {  	_ =	swait.ge [sflag:s14], $0x2000  }
0x162: {  	s15 =	simm.s32 $0xB;
	[sflag:s14] =	ssyncset.done $0x0  }
0x163: {  	s17 =	simm.s32 $0x4400;
	s31 =	sadd.s32 $0x2800, s26;
	[sflag:s14] =	ssyncadd.s32 $0xFFFFE000  }
0x164: {  	[hbm4b:s31+s3] =	stream.linear.scatter [tilespmem:s17], [sflag:$0xB], $0x2000, $0x38;
	[tilespmem:$0x10400] =	vst v63  }
0x165: {  	_ =	swait.ge [sflag:s15], $0x2000  }
0x166: {  	[sflag:s15] =	ssyncset.done $0x0  }
0x167: {  	[sflag:s15] =	ssyncadd.s32 $0xFFFFE000  }
0x168: {  	v2 =	vld.msk [tilespmem:s0+$0xFFFFFFE0], $0xff;
	_ =	sdelay $0x4  }
0x169: {  	v3 =	vshll.u32 v2, $0x3  }
0x16a: {  	v2 =	vand.u32 $0x7, v2;
	v3 =	vand.u32 $0xFFFFFFC0, v3  }
0x16b: {  	v2 =	vor.u32 v2, v3  }
0x16c: {  	v2 =	vperm.xlane v2, v0;
	_ =	sdelay $0x1  }
0x16d: {  	v2 =	vadd.s32 v1, v2;
	_ =	sdelay $0x4  }
0x16e: {  	[tilespmem:s17], [sflag:$0x3] =	stream.indirect_vreg.gather [hbm4b:s2+s3], $0x80, v2, vm0, $0xb8;
	[tilespmem:$0x10400] =	vst v63  }
0x16f: {  	s16 =	simm.s32 $0x4C00  }
0x170: {  	[tilespmem:s16], [sflag:$0x3] =	stream.indirect_vreg.gather [hbm4b:s5+s3], $0x80, v2, vm0, $0xb8;
	[tilespmem:$0x10400] =	vst v63  }
0x171: {  	s17 =	simm.s32 $0x5400  }
0x172: {  	[tilespmem:s17], [sflag:$0x3] =	stream.indirect_vreg.gather [hbm4b:s6+s3], $0x80, v2, vm0, $0xb8;
	[tilespmem:$0x10400] =	vst v63  }
0x173: {  	s19 =	simm.s32 $0x5C00;
	s11 =	simm.s32 $0x4  }
0x174: {  	[tilespmem:s19], [sflag:$0x3] =	stream.indirect_vreg.gather [hbm4b:s8+s3], $0x80, v2, vm0, $0xb8;
	[tilespmem:$0x10400] =	vst v63  }
0x175: {  	_ =	swait.ge [sflag:s11], $0x2000  }
0x176: {  	s12 =	simm.s32 $0x6400;
	[sflag:s11] =	ssyncset.done $0x0  }
0x177: {  	s31 =	sadd.s32 $0x2C00, s26;
	[sflag:s11] =	ssyncadd.s32 $0xFFFFE000;
	s11 =	simm.s32 $0xC  }
0x178: {  	[hbm4b:s31+s3] =	stream.linear.scatter [tilespmem:s12], [sflag:$0xC], $0x2000, $0x38;
	[tilespmem:$0x10400] =	vst v63  }
0x179: {  	_ =	swait.ge [sflag:s11], $0x2000  }
0x17a: {  	[sflag:s11] =	ssyncset.done $0x0  }
0x17b: {  	[sflag:s11] =	ssyncadd.s32 $0xFFFFE000  }
0x17c: {  	v2 =	vld.msk [tilespmem:s0+$0xFFFFFFE8], $0xff;
	_ =	sdelay $0x4  }
0x17d: {  	v3 =	vshll.u32 v2, $0x3  }
0x17e: {  	v2 =	vand.u32 $0x7, v2;
	v3 =	vand.u32 $0xFFFFFFC0, v3  }
0x17f: {  	v2 =	vor.u32 v2, v3  }
0x180: {  	v2 =	vperm.xlane v2, v0;
	_ =	sdelay $0x1  }
0x181: {  	v2 =	vadd.s32 v1, v2;
	_ =	sdelay $0x4  }
0x182: {  	[tilespmem:s12], [sflag:$0x4] =	stream.indirect_vreg.gather [hbm4b:s2+s3], $0x80, v2, vm0, $0xb8;
	[tilespmem:$0x10400] =	vst v63  }
0x183: {  	s10 =	simm.s32 $0x6C00  }
0x184: {  	[tilespmem:s10], [sflag:$0x4] =	stream.indirect_vreg.gather [hbm4b:s5+s3], $0x80, v2, vm0, $0xb8;
	[tilespmem:$0x10400] =	vst v63  }
0x185: {  	s14 =	simm.s32 $0x7400  }
0x186: {  	[tilespmem:s14], [sflag:$0x4] =	stream.indirect_vreg.gather [hbm4b:s6+s3], $0x80, v2, vm0, $0xb8;
	[tilespmem:$0x10400] =	vst v63  }
0x187: {  	s15 =	simm.s32 $0x7C00  }
0x188: {  	[tilespmem:s15], [sflag:$0x4] =	stream.indirect_vreg.gather [hbm4b:s8+s3], $0x80, v2, vm0, $0xb8;
	[tilespmem:$0x10400] =	vst v63  }
0x189: {  	_ =	swait.ge [sflag:s20], $0x2000  }
0x18a: {  	[sflag:s20] =	ssyncset.done $0x0  }
0x18b: {  	s31 =	sadd.s32 $0x3000, s26;
	s12 =	simm.s32 $0x8400;
	[sflag:s20] =	ssyncadd.s32 $0xFFFFE000  }
0x18c: {  	[hbm4b:s31+s3] =	stream.linear.scatter [tilespmem:s12], [sflag:$0xD], $0x2000, $0x38;
	[tilespmem:$0x10400] =	vst v63  }
0x18d: {  	_ =	swait.ge [sflag:s22], $0x2000  }
0x18e: {  	[sflag:s22] =	ssyncset.done $0x0  }
0x18f: {  	[sflag:s22] =	ssyncadd.s32 $0xFFFFE000  }
0x190: {  	v2 =	vld.msk [tilespmem:s0+$0xFFFFFFF0], $0xff;
	_ =	sdelay $0x4  }
0x191: {  	v3 =	vshll.u32 v2, $0x3  }
0x192: {  	v2 =	vand.u32 $0x7, v2;
	v3 =	vand.u32 $0xFFFFFFC0, v3  }
0x193: {  	v2 =	vor.u32 v2, v3  }
0x194: {  	v2 =	vperm.xlane v2, v0;
	_ =	sdelay $0x1  }
0x195: {  	v2 =	vadd.s32 v1, v2;
	_ =	sdelay $0x4  }
0x196: {  	[tilespmem:s12], [sflag:$0x5] =	stream.indirect_vreg.gather [hbm4b:s2+s3], $0x80, v2, vm0, $0xb8;
	[tilespmem:$0x10400] =	vst v63  }
0x197: {  	s12 =	simm.s32 $0x8C00  }
0x198: {  	[tilespmem:s12], [sflag:$0x5] =	stream.indirect_vreg.gather [hbm4b:s5+s3], $0x80, v2, vm0, $0xb8;
	[tilespmem:$0x10400] =	vst v63  }
0x199: {  	s14 =	simm.s32 $0x9400  }
0x19a: {  	[tilespmem:s14], [sflag:$0x5] =	stream.indirect_vreg.gather [hbm4b:s6+s3], $0x80, v2, vm0, $0xb8;
	[tilespmem:$0x10400] =	vst v63  }
0x19b: {  	s16 =	simm.s32 $0x9C00  }
0x19c: {  	[tilespmem:s16], [sflag:$0x5] =	stream.indirect_vreg.gather [hbm4b:s8+s3], $0x80, v2, vm0, $0xb8;
	[tilespmem:$0x10400] =	vst v63  }
0x19d: {  	_ =	swait.ge [sflag:s23], $0x2000  }
0x19e: {  	[sflag:s23] =	ssyncset.done $0x0  }
0x19f: {  	s15 =	simm.s32 $0xA400;
	s31 =	sadd.s32 $0x3400, s26;
	[sflag:s23] =	ssyncadd.s32 $0xFFFFE000  }
0x1a0: {  	[hbm4b:s31+s3] =	stream.linear.scatter [tilespmem:s15], [sflag:$0xE], $0x2000, $0x38;
	[tilespmem:$0x10400] =	vst v63  }
0x1a1: {  	_ =	swait.ge [sflag:s24], $0x2000  }
0x1a2: {  	[sflag:s24] =	ssyncset.done $0x0  }
0x1a3: {  	[sflag:s24] =	ssyncadd.s32 $0xFFFFE000  }
0x1a4: {  	v2 =	vld.msk [tilespmem:s0+$0xFFFFFFF8], $0xff;
	_ =	sdelay $0x4  }
0x1a5: {  	v3 =	vshll.u32 v2, $0x3  }
0x1a6: {  	v2 =	vand.u32 $0x7, v2;
	v3 =	vand.u32 $0xFFFFFFC0, v3  }
0x1a7: {  	v2 =	vor.u32 v2, v3  }
0x1a8: {  	v2 =	vperm.xlane v2, v0;
	_ =	sdelay $0x1  }
0x1a9: {  	v2 =	vadd.s32 v1, v2;
	_ =	sdelay $0x4  }
0x1aa: {  	[tilespmem:s15], [sflag:$0x6] =	stream.indirect_vreg.gather [hbm4b:s2+s3], $0x80, v2, vm0, $0xb8;
	[tilespmem:$0x10400] =	vst v63  }
0x1ab: {  	s15 =	simm.s32 $0xAC00  }
0x1ac: {  	[tilespmem:s15], [sflag:$0x6] =	stream.indirect_vreg.gather [hbm4b:s5+s3], $0x80, v2, vm0, $0xb8;
	[tilespmem:$0x10400] =	vst v63  }
0x1ad: {  	s16 =	simm.s32 $0xB400  }
0x1ae: {  	[tilespmem:s16], [sflag:$0x6] =	stream.indirect_vreg.gather [hbm4b:s6+s3], $0x80, v2, vm0, $0xb8;
	[tilespmem:$0x10400] =	vst v63  }
0x1af: {  	s19 =	simm.s32 $0xBC00  }
0x1b0: {  	[tilespmem:s19], [sflag:$0x6] =	stream.indirect_vreg.gather [hbm4b:s8+s3], $0x80, v2, vm0, $0xb8;
	[tilespmem:$0x10400] =	vst v63  }
0x1b1: {  	_ =	swait.ge [sflag:s25], $0x2000  }
0x1b2: {  	[sflag:s25] =	ssyncset.done $0x0  }
0x1b3: {  	s31 =	sadd.s32 $0x3800, s26;
	s19 =	simm.s32 $0xC400;
	[sflag:s25] =	ssyncadd.s32 $0xFFFFE000  }
0x1b4: {  	[hbm4b:s31+s3] =	stream.linear.scatter [tilespmem:s19], [sflag:$0xF], $0x2000, $0x38;
	[tilespmem:$0x10400] =	vst v63  }
0x1b5: {  	_ =	swait.ge [sflag:s28], $0x2000  }
0x1b6: {  	[sflag:s28] =	ssyncset.done $0x0  }
0x1b7: {  	[sflag:s28] =	ssyncadd.s32 $0xFFFFE000  }
0x1b8: {  	v2 =	vld.msk [tilespmem:s0+$0x0], $0xff;
	_ =	sdelay $0x4  }
0x1b9: {  	v3 =	vshll.u32 v2, $0x3  }
0x1ba: {  	v2 =	vand.u32 $0x7, v2;
	v3 =	vand.u32 $0xFFFFFFC0, v3  }
0x1bb: {  	v2 =	vor.u32 v2, v3  }
0x1bc: {  	v2 =	vperm.xlane v2, v0;
	_ =	sdelay $0x1  }
0x1bd: {  	v2 =	vadd.s32 v1, v2;
	_ =	sdelay $0x4  }
0x1be: {  	[tilespmem:s19], [sflag:$0x7] =	stream.indirect_vreg.gather [hbm4b:s2+s3], $0x80, v2, vm0, $0xb8;
	[tilespmem:$0x10400] =	vst v63  }
0x1bf: {  	s16 =	simm.s32 $0xCC00  }
0x1c0: {  	[tilespmem:s16], [sflag:$0x7] =	stream.indirect_vreg.gather [hbm4b:s5+s3], $0x80, v2, vm0, $0xb8;
	[tilespmem:$0x10400] =	vst v63  }
0x1c1: {  	s9 =	simm.s32 $0x400;
	s19 =	simm.s32 $0xD400  }
0x1c2: {  	[tilespmem:s19], [sflag:$0x7] =	stream.indirect_vreg.gather [hbm4b:s6+s3], $0x80, v2, vm0, $0xb8;
	[tilespmem:$0x10400] =	vst v63  }
0x1c3: {  	p0 =	sne.s32 s4, $0x1A000;
	s7 =	simm.s32 $0x2400;
	s19 =	simm.s32 $0xDC00  }
0x1c4: {  	[tilespmem:s19], [sflag:$0x7] =	stream.indirect_vreg.gather [hbm4b:s8+s3], $0x80, v2, vm0, $0xb8;
	[tilespmem:$0x10400] =	vst v63  }
.Ltmp0:
0x1c5: {  	s4 =	sadd.s32 $0x2000, s4;
	s21 =	simm.s32 $0x4400;
	(pc) =	sbr.rel @p0 .LBB2_2-.Ltmp0, $4  }
0x1c6: {  	s17 =	simm.s32 $0x6400;
	s11 =	simm.s32 $0x8400;
	_ =	swait.ge [sflag:s29], $0x2000  }
0x1c7: {  	s14 =	simm.s32 $0xA400;
	s26 =	sadd.s32 $0x3C00, s26;
	[sflag:s29] =	ssyncset.done $0x0  }
0x1c8: {  	s31 =	simm.s32 $0xC400;
	s0 =	sadd.s32 $0x40, s0;
	[sflag:s29] =	ssyncadd.s32 $0xFFFFE000  }
0x1c9: {  	[hbm4b:s26+s3] =	stream.linear.scatter [tilespmem:s18], [sflag:$0x10], $0x2000, $0x38;
	[tilespmem:$0x10400] =	vst v63  }
0x1ca: {  	_ =	swait.ge [sflag:s1], $0x2000  }
0x1cb: {  	[sflag:s1] =	ssyncset.done $0x0  }
0x1cc: {  	[sflag:s1] =	ssyncadd.s32 $0xFFFFE000  }
0x1cd: {  	v2 =	vld.msk [tilespmem:$0x3F8], $0xff;
	_ =	sdelay $0x4  }
0x1ce: {  	v3 =	vshll.u32 v2, $0x3  }
0x1cf: {  	v2 =	vand.u32 $0x7, v2;
	v3 =	vand.u32 $0xFFFFFFC0, v3  }
0x1d0: {  	v2 =	vor.u32 v2, v3  }
0x1d1: {  	v2 =	vperm.xlane v2, v0;
	_ =	sdelay $0x1  }
0x1d2: {  	v2 =	vadd.s32 v1, v2;
	_ =	sdelay $0x3  }
0x1d3: {  	s4 =	simm.s32 $0xE400  }
0x1d4: {  	[tilespmem:s4], [sflag:$0x8] =	stream.indirect_vreg.gather [hbm4b:s2+s3], $0x80, v2, vm0, $0xb8;
	[tilespmem:$0x10400] =	vst v63  }
0x1d5: {  	s0 =	simm.s32 $0xEC00  }
0x1d6: {  	[tilespmem:s0], [sflag:$0x8] =	stream.indirect_vreg.gather [hbm4b:s5+s3], $0x80, v2, vm0, $0xb8;
	[tilespmem:$0x10400] =	vst v63  }
0x1d7: {  	s19 =	simm.s32 $0xF400  }
0x1d8: {  	[tilespmem:s19], [sflag:$0x8] =	stream.indirect_vreg.gather [hbm4b:s6+s3], $0x80, v2, vm0, $0xb8;
	[tilespmem:$0x10400] =	vst v63  }
0x1d9: {  	s26 =	simm.s32 $0xFC00;
	s18 =	simm.s32 $0x1  }
0x1da: {  	[tilespmem:s26], [sflag:$0x8] =	stream.indirect_vreg.gather [hbm4b:s8+s3], $0x80, v2, vm0, $0xb8;
	[tilespmem:$0x10400] =	vst v63  }
0x1db: {  	_ =	swait.ge [sflag:s18], $0x2000  }
0x1dc: {  	[sflag:s18] =	ssyncset.done $0x0  }
0x1dd: {  	s26 =	simm.s32 $0x2;
	s19 =	rddreg [dreg:$0xe];
	[sflag:s18] =	ssyncadd.s32 $0xFFFFE000  }
0x1de: {  	[hbm4b:s19+s3] =	stream.linear.scatter [tilespmem:s9], [sflag:$0x9], $0x2000, $0x38;
	[tilespmem:$0x10400] =	vst v63  }
0x1df: {  	_ =	swait.ge [sflag:s26], $0x2000  }
0x1e0: {  	[sflag:s26] =	ssyncset.done $0x0  }
0x1e1: {  	s18 =	simm.s32 $0x3;
	s9 =	rddreg [dreg:$0xf];
	[sflag:s26] =	ssyncadd.s32 $0xFFFFE000  }
0x1e2: {  	[hbm4b:s9+s3] =	stream.linear.scatter [tilespmem:s7], [sflag:$0xA], $0x2000, $0x38;
	[tilespmem:$0x10400] =	vst v63  }
0x1e3: {  	_ =	swait.ge [sflag:s18], $0x2000  }
0x1e4: {  	[sflag:s18] =	ssyncset.done $0x0  }
0x1e5: {  	s19 =	rddreg [dreg:$0x10];
	[sflag:s18] =	ssyncadd.s32 $0xFFFFE000  }
0x1e6: {  	[hbm4b:s19+s3] =	stream.linear.scatter [tilespmem:s21], [sflag:$0xB], $0x2000, $0x38;
	[tilespmem:$0x10400] =	vst v63  }
0x1e7: {  	s21 =	simm.s32 $0x4  }
0x1e8: {  	_ =	swait.ge [sflag:s21], $0x2000  }
0x1e9: {  	[sflag:s21] =	ssyncset.done $0x0  }
0x1ea: {  	s26 =	rddreg [dreg:$0x11];
	[sflag:s21] =	ssyncadd.s32 $0xFFFFE000  }
0x1eb: {  	[hbm4b:s26+s3] =	stream.linear.scatter [tilespmem:s17], [sflag:$0xC], $0x2000, $0x38;
	[tilespmem:$0x10400] =	vst v63  }
0x1ec: {  	_ =	swait.ge [sflag:s20], $0x2000  }
0x1ed: {  	[sflag:s20] =	ssyncset.done $0x0  }
0x1ee: {  	s7 =	rddreg [dreg:$0x12];
	[sflag:s20] =	ssyncadd.s32 $0xFFFFE000  }
0x1ef: {  	[hbm4b:s7+s3] =	stream.linear.scatter [tilespmem:s11], [sflag:$0xD], $0x2000, $0x38;
	[tilespmem:$0x10400] =	vst v63  }
0x1f0: {  	_ =	swait.ge [sflag:s23], $0x2000  }
0x1f1: {  	[sflag:s23] =	ssyncset.done $0x0  }
0x1f2: {  	s9 =	rddreg [dreg:$0x13];
	[sflag:s23] =	ssyncadd.s32 $0xFFFFE000  }
0x1f3: {  	[hbm4b:s9+s3] =	stream.linear.scatter [tilespmem:s14], [sflag:$0xE], $0x2000, $0x38;
	[tilespmem:$0x10400] =	vst v63  }
0x1f4: {  	_ =	swait.ge [sflag:s25], $0x2000  }
0x1f5: {  	[sflag:s25] =	ssyncset.done $0x0  }
0x1f6: {  	s11 =	rddreg [dreg:$0x14];
	[sflag:s25] =	ssyncadd.s32 $0xFFFFE000  }
0x1f7: {  	[hbm4b:s11+s3] =	stream.linear.scatter [tilespmem:s31], [sflag:$0xF], $0x2000, $0x38;
	[tilespmem:$0x10400] =	vst v63  }
0x1f8: {  	_ =	swait.ge [sflag:s29], $0x2000  }
0x1f9: {  	[sflag:s29] =	ssyncset.done $0x0  }
0x1fa: {  	s17 =	simm.s32 $0x9;
	s14 =	rddreg [dreg:$0x15];
	[sflag:s29] =	ssyncadd.s32 $0xFFFFE000  }
0x1fb: {  	[hbm4b:s14+s3] =	stream.linear.scatter [tilespmem:s4], [sflag:$0x10], $0x2000, $0x38;
	[tilespmem:$0x10400] =	vst v63  }
0x1fc: {  	_ =	swait.ge [sflag:s17], $0x2000  }
0x1fd: {  	[sflag:s17] =	ssyncset.done $0x0  }
0x1fe: {  	s18 =	simm.s32 $0xA;
	[sflag:s17] =	ssyncadd.s32 $0xFFFFE000  }
0x1ff: {  	_ =	swait.ge [sflag:s18], $0x2000  }
0x200: {  	[sflag:s18] =	ssyncset.done $0x0  }
0x201: {  	s19 =	simm.s32 $0xB;
	[sflag:s18] =	ssyncadd.s32 $0xFFFFE000  }
0x202: {  	_ =	swait.ge [sflag:s19], $0x2000  }
0x203: {  	[sflag:s19] =	ssyncset.done $0x0  }
0x204: {  	s21 =	simm.s32 $0xC;
	[sflag:s19] =	ssyncadd.s32 $0xFFFFE000  }
0x205: {  	_ =	swait.ge [sflag:s21], $0x2000  }
0x206: {  	[sflag:s21] =	ssyncset.done $0x0  }
0x207: {  	[sflag:s21] =	ssyncadd.s32 $0xFFFFE000  }
0x208: {  	_ =	swait.ge [sflag:s22], $0x2000  }
0x209: {  	[sflag:s22] =	ssyncset.done $0x0  }
0x20a: {  	[sflag:s22] =	ssyncadd.s32 $0xFFFFE000  }
0x20b: {  	_ =	swait.ge [sflag:s24], $0x2000  }
0x20c: {  	[sflag:s24] =	ssyncset.done $0x0  }
0x20d: {  	[sflag:s24] =	ssyncadd.s32 $0xFFFFE000  }
0x20e: {  	_ =	swait.ge [sflag:s28], $0x2000  }
0x20f: {  	[sflag:s28] =	ssyncset.done $0x0  }
0x210: {  	[sflag:s28] =	ssyncadd.s32 $0xFFFFE000  }
0x211: {  	_ =	swait.ge [sflag:s1], $0x2000  }
0x212: {  	s26 =	rddreg [dreg:$0x17]  }
0x213: {  	s31 =	rddreg [dreg:$0x16];
	s4 =	sadd.s32 $0x1, s26  }
0x214: {  	p0 =	sne.s32 s4, s31  }
.Ltmp1:
0x215: {  	_ = 	snop;
	(pc) =	sbr.rel @p0 .LBB2_1-.Ltmp1, $4  }
0x216: {  	_ = 	snop  }
0x217: {  	s9 =	simm.s32 $0x1400;
	s11 =	simm.s32 $0x9400  }
0x218: {  	s14 =	simm.s32 $0xB400;
	s17 =	simm.s32 $0x1C00;
	[sflag:s1] =	ssyncset.done $0x0  }
0x219: {  	s21 =	simm.s32 $0x3400;
	[sflag:s1] =	ssyncadd.s32 $0xFFFFE000;
	s26 =	simm.s32 $0x3C00  }
0x21a: {  	_ =	sfence.sel $0x180000  }
0x21b: {  	[bflag:$0x0] =	sbarrier.arrive $0xFFFF  }
0x21c: {  	_ =	strace $0x90000047  }
0x21d: {  	s0 =	stileid.u32;
	[bflag:$0x2] =	sbarrier.arrive $0xFFFF  }
0x21e: {  	p0 =	sne.s32 s0, $0x0;
	s0 =	rddreg [dreg:$0x3]  }
0x21f: {  	s0 =	sadd.s32 @!p0 $0x100000, s0  }
0x220: {  	[sflag:s0] =	ssyncadd.tile.s32 @!p0 $0x1;
	_ =	shalt  }
.Lfunc_end2:
_tile_overlayer_lowered:
.L_overlay_start_2:
0x221: {  	(tag) =	ssettag $0x2  }
0x222: {  	s0 =	rddreg [dreg:$0x0];
	s2 =	stileid.u32  }
0x223: {  	s1 =	rddreg [dreg:$0x1];
	p0 =	sne.s32 s2, $0x0  }
0x224: {  	s3 =	rddreg [dreg:$0x2];
	[bflag:$0x3] =	sbarrier.arrive $0xFFFF;
	s2 =	simm.s32 @!p0 $0x1C11  }
0x225: {  	[timem:s3], [sflag:s2] =	dma.local @!p0 [hbm:s0], s1  }
0x226: {  	s0 =	simm.s32 @!p0 $0x11  }
0x227: {  	_ =	swait.ge @!p0 [sflag:s0], s1  }
0x228: {  	s1 =	ssub.s32 @!p0 $0x0, s1;
	[sflag:s0] =	ssyncset.done @!p0 $0x0  }
0x229: {  	[sflag:s0] =	ssyncadd.s32 @!p0 s1  }
0x22a: {  	[bflag:$0x3] =	sbarrier.arrive $0xFFFF  }
0x22b: {  	_ =	shalt  }

</sc_bundles>
